<compile_context>
chip_gen: v7x
topology: tpu7x:2x2x1
jax: 0.10.2.dev20260603
libtpu: 0.0.44.dev20260713+nightly
codegen_flags: <defaults>
</compile_context>

<pallas_src>
import functools

import jax
import jax.numpy as jnp
from jax import lax
from jax.experimental import pallas as pl
from jax.experimental.pallas import tpu as pltpu
from jax.experimental.pallas import tpu_sc as plsc

N = 10000
E = 320000
D = 128

NC = 2
NS = 16
NW = NC * NS
EW = E // NW
CH = 40
NCHUNK = EW // CH
NB = 6
NTAIL = NCHUNK - (NCHUNK // NB) * NB

NPAD = 10240
SEG = NPAD // NS

ROWS_T = N // NS

E_T = E // (NC * NS)

_mesh = plsc.VectorSubcoreMesh(core_axis_name="c", subcore_axis_name="s")
_sc_params = pltpu.CompilerParams(
    needs_layout_passes=False, use_tc_tiling_on_sc=False
)


@functools.partial(
    pl.kernel,
    mesh=_mesh,
    out_type=jax.ShapeDtypeStruct((NC, NPAD), jnp.float32),
    scratch_types=[
        pltpu.VMEM((E_T,), jnp.int32),
        pltpu.VMEM((NPAD,), jnp.float32),
        pltpu.VMEM((NS, SEG), jnp.float32),
        pltpu.VMEM((SEG,), jnp.float32),
        pltpu.VMEM_SHARED((NS, NPAD), jnp.float32),
    ],
    compiler_params=_sc_params,
)
def _deg_kernel(dst_hbm, deg_hbm, idx_v, hist_v, seg2_v, acc_v, stage_s):
    cid = lax.axis_index("c")
    sid = lax.axis_index("s")
    ones = jnp.ones((16,), jnp.float32)

    def zero_body(i, _):
        hist_v[pl.ds(i * 16, 16)] = jnp.zeros((16,), jnp.float32)
        return ()
    lax.fori_loop(0, NPAD // 16, zero_body, ())

    pltpu.sync_copy(dst_hbm.at[pl.ds((cid * NS + sid) * E_T, E_T)], idx_v)

    def vec_body(k, _):
        idx = idx_v[pl.ds(k * 16, 16)]
        plsc.addupdate_scatter(hist_v, [idx], ones)
        return ()
    lax.fori_loop(0, E_T // 16, vec_body, ())

    pltpu.sync_copy(hist_v, stage_s.at[sid])

    plsc.subcore_barrier()

    def rzero(i, _):
        acc_v[pl.ds(i * 16, 16)] = jnp.zeros((16,), jnp.float32)
        return ()
    lax.fori_loop(0, SEG // 16, rzero, ())

    pltpu.sync_copy(stage_s.at[:, pl.ds(sid * SEG, SEG)], seg2_v)

    def radd(j, _):
        def vadd(k, _):
            acc_v[pl.ds(k * 16, 16)] = acc_v[pl.ds(k * 16, 16)] + seg2_v[j, pl.ds(k * 16, 16)]
            return ()
        lax.fori_loop(0, SEG // 16, vadd, ())
        return ()
    lax.fori_loop(0, NS, radd, ())

    pltpu.sync_copy(acc_v, deg_hbm.at[cid, pl.ds(sid * SEG, SEG)])


@functools.partial(
    pl.kernel,
    mesh=_mesh,
    out_type=(
        jax.ShapeDtypeStruct((N, D), jnp.float32),
        jax.ShapeDtypeStruct((N, D), jnp.float32),
    ),
    scratch_types=[
        pltpu.VMEM((NCHUNK, CH), jnp.int32),
        pltpu.VMEM((NCHUNK, CH), jnp.int32),
        pltpu.VMEM((NB, CH, D), jnp.float32),
        pltpu.VMEM_SHARED((N, D), jnp.float32),
        pltpu.SemaphoreType.DMA((NB,)),
        pltpu.SemaphoreType.DMA((NB,)),
    ],
    compiler_params=_sc_params,
)
def _msg_kernel(g_hbm, src_hbm, dst_hbm, zeros_hbm, p0_hbm, p1_hbm,
                src_v, dst_v, rows_v, acc_s, gsem, ssem):
    cid = lax.axis_index("c")
    sid = lax.axis_index("s")
    w = sid * NC + cid

    pltpu.sync_copy(src_hbm.at[w], src_v)
    pltpu.sync_copy(dst_hbm.at[w], dst_v)

    base = sid * ROWS_T

    @pl.when(cid == 0)
    def _():
        pltpu.sync_copy(g_hbm.at[pl.ds(base, ROWS_T)], acc_s.at[pl.ds(base, ROWS_T)])

    @pl.when(cid != 0)
    def _():
        pltpu.sync_copy(zeros_hbm, acc_s.at[pl.ds(base, ROWS_T)])

    plsc.subcore_barrier()

    for b in range(NB):
        pltpu.async_copy(g_hbm.at[src_v.at[b]], rows_v.at[b], gsem.at[b])

    def group_body(gi, _):
        for b in range(NB):
            c = gi * NB + b
            pltpu.make_async_copy(
                g_hbm.at[src_v.at[c]], rows_v.at[b], gsem.at[b]
            ).wait()
            pltpu.async_copy(
                rows_v.at[b], acc_s.at[dst_v.at[c]], ssem.at[b], add=True
            )
        for b in range(NB):
            c = gi * NB + b
            pltpu.make_async_copy(
                rows_v.at[b], acc_s.at[dst_v.at[c]], ssem.at[b]
            ).wait()

            @pl.when(c + NB < NCHUNK)
            def _():
                pltpu.async_copy(
                    g_hbm.at[src_v.at[c + NB]], rows_v.at[b], gsem.at[b]
                )
        return ()
    lax.fori_loop(0, NCHUNK // NB, group_body, ())

    for t in range(NTAIL):
        c = (NCHUNK // NB) * NB + t
        pltpu.make_async_copy(
            g_hbm.at[src_v.at[c]], rows_v.at[t], gsem.at[t]
        ).wait()
        pltpu.async_copy(
            rows_v.at[t], acc_s.at[dst_v.at[c]], ssem.at[t], add=True
        )
    for t in range(NTAIL):
        c = (NCHUNK // NB) * NB + t
        pltpu.make_async_copy(
            rows_v.at[t], acc_s.at[dst_v.at[c]], ssem.at[t]
        ).wait()

    plsc.subcore_barrier()

    @pl.when(cid == 0)
    def _():
        pltpu.sync_copy(acc_s.at[pl.ds(base, ROWS_T)], p0_hbm.at[pl.ds(base, ROWS_T)])

    @pl.when(cid != 0)
    def _():
        pltpu.sync_copy(acc_s.at[pl.ds(base, ROWS_T)], p1_hbm.at[pl.ds(base, ROWS_T)])


def _transform_body(x_ref, w_ref, wc_ref, deg0_ref, deg1_ref, g_ref, dinv_ref):
    x0 = jnp.dot(x_ref[...], w_ref[...], preferred_element_type=jnp.float32)
    h = jnp.dot(x0, wc_ref[...], preferred_element_type=jnp.float32)
    dinv = lax.rsqrt(deg0_ref[...] + deg1_ref[...] + 1.0)
    g_ref[...] = h * dinv
    dinv_ref[...] = dinv


def _epilogue_body(p0_ref, p1_ref, dinv_ref, b_ref, out_ref):
    s = (p0_ref[...] + p1_ref[...]) * dinv_ref[...] + b_ref[...]
    out_ref[...] = jnp.where(s >= 0, s, 0.2 * s)


_BLK = 1000


def kernel(x, edge_index, W, Wc, b):
    src = edge_index[0].reshape(NW, NCHUNK, CH)
    dst_flat = edge_index[1]
    dst = dst_flat.reshape(NW, NCHUNK, CH)

    deg2 = _deg_kernel(dst_flat)
    deg0 = deg2[0].reshape(NPAD, 1)
    deg1 = deg2[1].reshape(NPAD, 1)

    g, dinv = pl.pallas_call(
        _transform_body,
        grid=(N // _BLK,),
        in_specs=[
            pl.BlockSpec((_BLK, D), lambda i: (i, 0)),
            pl.BlockSpec((D, D), lambda i: (0, 0)),
            pl.BlockSpec((D, D), lambda i: (0, 0)),
            pl.BlockSpec((_BLK, 1), lambda i: (i, 0)),
            pl.BlockSpec((_BLK, 1), lambda i: (i, 0)),
        ],
        out_specs=(
            pl.BlockSpec((_BLK, D), lambda i: (i, 0)),
            pl.BlockSpec((_BLK, 1), lambda i: (i, 0)),
        ),
        out_shape=(
            jax.ShapeDtypeStruct((N, D), jnp.float32),
            jax.ShapeDtypeStruct((N, 1), jnp.float32),
        ),
    )(x, W, Wc, deg0, deg1)

    zeros = jnp.zeros((ROWS_T, D), jnp.float32)
    p0, p1 = _msg_kernel(g, src, dst, zeros)

    out = pl.pallas_call(
        _epilogue_body,
        grid=(N // _BLK,),
        in_specs=[
            pl.BlockSpec((_BLK, D), lambda i: (i, 0)),
            pl.BlockSpec((_BLK, D), lambda i: (i, 0)),
            pl.BlockSpec((_BLK, 1), lambda i: (i, 0)),
            pl.BlockSpec((1, D), lambda i: (0, 0)),
        ],
        out_specs=pl.BlockSpec((_BLK, D), lambda i: (i, 0)),
        out_shape=jax.ShapeDtypeStruct((N, D), jnp.float32),
    )(p0, p1, dinv, b.reshape(1, D))

    return out

# --- scband reference (transcript-rebuilt; emitter-appended) ---
"""Pipeline reference for scband-gcnlayer-68066641707010 (READ-ONLY COPY).

The authoritative reference and input builder live on the scoring server;
editing this copy changes nothing except your own understanding.
"""

import jax, jax.numpy as jnp
import numpy as np

N = 10000
E = 320000
D_IN = 128
D_OUT = 128

def setup_inputs(seed: int = 0) -> dict:
    key = jax.random.key(seed)
    k1, k2, k3, k4 = jax.random.split(key, 4)
    x = jax.random.normal(k1, (N, D_IN), dtype=jnp.float32)
    edge_index = jax.random.randint(k2, (2, E), 0, N, dtype=jnp.int32)
    # self.weight: Parameter [in, in], xavier_normal init
    W = jax.random.normal(k3, (D_IN, D_IN), dtype=jnp.float32) * float(np.sqrt(2.0 / (D_IN + D_IN)))
    # GCNConv linear weight [in, out] (glorot) and bias [out] (zeros)
    Wc = jax.random.normal(k4, (D_IN, D_OUT), dtype=jnp.float32) * float(np.sqrt(2.0 / (D_IN + D_OUT)))
    b = jnp.zeros((D_OUT,), dtype=jnp.float32)
    return {"x": x, "edge_index": edge_index, "W": W, "Wc": Wc, "b": b}

def reference(x, edge_index, W, Wc, b):
    # x0 = x @ self.weight
    x0 = x @ W
    # GCNConv: add self-loops, symmetric normalization D^-1/2 (A+I) D^-1/2
    h = x0 @ Wc
    src = edge_index[0]
    dst = edge_index[1]
    loop = jnp.arange(N, dtype=edge_index.dtype)
    src = jnp.concatenate([src, loop], axis=0)
    dst = jnp.concatenate([dst, loop], axis=0)
    ones = jnp.ones(src.shape[0], dtype=x.dtype)
    deg = jnp.zeros((N,), dtype=x.dtype).at[dst].add(ones)
    deg_inv_sqrt = jnp.where(deg > 0, jax.lax.rsqrt(jnp.maximum(deg, 1e-12)), 0.0)
    norm = deg_inv_sqrt[src] * deg_inv_sqrt[dst]
    msg = h[src] * norm[:, None]
    out = jnp.zeros((N, D_OUT), dtype=x.dtype).at[dst].add(msg) + b
    # leaky_relu(negative_slope=0.2)
    return jnp.where(out >= 0, out, 0.2 * out)

if __name__ == "__main__":
    import jax
    _d = setup_inputs()
    print(jax.jit(kernel)(*tuple(_d.values())))

</pallas_src>

<mosaic_0001>
#map = affine_map<(d0, d1) -> (0)>
#map1 = affine_map<(d0, d1) -> (0, 0)>
module attributes {stable_mosaic.version = 14 : i64} {
  func.func @_deg_kernel(%arg0: i32, %arg1: i32, %arg2: memref<320000xi32, #tpu.memory_space<hbm>>, %arg3: memref<2x10240xf32, #tpu.memory_space<hbm>>, %arg4: memref<10000xi32, #tpu.memory_space<vmem>>, %arg5: memref<10240xf32, #tpu.memory_space<vmem>>, %arg6: memref<16x640xf32, #tpu.memory_space<vmem>>, %arg7: memref<640xf32, #tpu.memory_space<vmem>>, %arg8: memref<16x10240xf32, #tpu.memory_space<vmem_shared>>) attributes {dimension_semantics = [#tpu.dimension_semantics<core_parallel>, #tpu.dimension_semantics<subcore_parallel>], iteration_bounds = array<i64: 2, 16>, scalar_prefetch = 0 : i64, scratch_operands = 5 : i64, tpu.core_type = #tpu.core_type<sc_vector_subcore>, window_params = [{transform_indices = #map}, {transform_indices = #map1}]} {
    %broadcast_in_dim3A = arith.constant 1.000000e+00 : f32
    %broadcast_in_dim3A_0 = vector.broadcast %broadcast_in_dim3A : f32 to vector<16xf32>
    %scan3A = arith.constant 0 : i32
    %scan3A_1 = arith.constant 640 : i32
    %scan3A_2 = arith.addi %scan3A, %scan3A_1 : i32
    %scan3A_3 = arith.constant 1 : i32
    scf.for %scan3A_27 = %scan3A to %scan3A_2 step %scan3A_3  : i32 {
      %broadcast_in_dim3A_28 = arith.constant 0.000000e+00 : f32
      %broadcast_in_dim3A_29 = vector.broadcast %broadcast_in_dim3A_28 : f32 to vector<16xf32>
      %mul3A_30 = arith.constant 16 : i32
      %mul3A_31 = arith.muli %scan3A_27, %mul3A_30 : i32
      %swap3A = arith.index_cast %mul3A_31 : i32 to index
      %swap3A_32 = tpu.vector_load %arg5[%swap3A] {strides = array<i32>} : memref<10240xf32, #tpu.memory_space<vmem>>, vector<16xf32>,
      tpu.vector_store %arg5[%swap3A], %broadcast_in_dim3A_29 {strides = array<i32>} : memref<10240xf32, #tpu.memory_space<vmem>>, vector<16xf32>,
    }
    %scan3A_4 = arith.constant 640 : i32
    %mul3A = arith.constant 16 : i32
    %mul3A_5 = arith.muli %arg0, %mul3A : i32
    %add3A = arith.addi %mul3A_5, %arg1 : i32
    %mul3A_6 = arith.constant 10000 : i32
    %mul3A_7 = arith.muli %add3A, %mul3A_6 : i32
    "tpu.region"() ({
      %run_scoped3A = tpu.sem_alloc : memref<!tpu.dma_semaphore, #tpu.memory_space<semaphore_mem>>
      %dma_start3A = tpu.memref_slice %arg2[%mul3A_7] : memref<320000xi32, #tpu.memory_space<hbm>> -> memref<10000xi32, #tpu.memory_space<hbm>>
      %dma_start3A_27 = tpu.memref_slice %arg2[%mul3A_7] : memref<320000xi32, #tpu.memory_space<hbm>> -> memref<10000xi32, #tpu.memory_space<hbm>>
      tpu.enqueue_dma source(%dma_start3A_27 : memref<10000xi32, #tpu.memory_space<hbm>>) target(%arg4 : memref<10000xi32, #tpu.memory_space<vmem>>) target_semaphore(%run_scoped3A : memref<!tpu.dma_semaphore, #tpu.memory_space<semaphore_mem>>)
      %dma_wait3A = tpu.memref_slice %arg2[%mul3A_7] : memref<320000xi32, #tpu.memory_space<hbm>> -> memref<10000xi32, #tpu.memory_space<hbm>>
      %dma_wait3A_28 = tpu.memref_slice %arg2[%mul3A_7] : memref<320000xi32, #tpu.memory_space<hbm>> -> memref<10000xi32, #tpu.memory_space<hbm>>
      tpu.wait_dma2 semaphore(%run_scoped3A : memref<!tpu.dma_semaphore, #tpu.memory_space<semaphore_mem>>) src(%dma_wait3A_28 : memref<10000xi32, #tpu.memory_space<hbm>>) dst(%arg4 : memref<10000xi32, #tpu.memory_space<vmem>>)
      tpu.yield
    }) : () -> ()
    %scan3A_8 = arith.constant 0 : i32
    %scan3A_9 = arith.constant 625 : i32
    %scan3A_10 = arith.addi %scan3A_8, %scan3A_9 : i32
    %scan3A_11 = arith.constant 1 : i32
    scf.for %scan3A_27 = %scan3A_8 to %scan3A_10 step %scan3A_11  : i32 {
      %mul3A_28 = arith.constant 16 : i32
      %mul3A_29 = arith.muli %scan3A_27, %mul3A_28 : i32
      %get3A = arith.index_cast %mul3A_29 : i32 to index
      %get3A_30 = tpu.vector_load %arg4[%get3A] {strides = array<i32>} : memref<10000xi32, #tpu.memory_space<vmem>>, vector<16xi32>,
      tpu.vector_store_idx %arg5[%get3A_30], %broadcast_in_dim3A_0 {add = true} : memref<10240xf32, #tpu.memory_space<vmem>>[vector<16xi32>], vector<16xf32>,
    }
    %scan3A_12 = arith.constant 625 : i32
    "tpu.region"() ({
      %run_scoped3A = tpu.sem_alloc : memref<!tpu.dma_semaphore, #tpu.memory_space<semaphore_mem>>
      %dma_start3A = arith.constant 0 : i32
      %dma_start3A_27 = tpu.memref_slice %arg8[%arg1, %dma_start3A] : memref<16x10240xf32, #tpu.memory_space<vmem_shared>> -> memref<1x10240xf32, #tpu.memory_space<vmem_shared>>
      %dma_start3A_28 = tpu.memref_squeeze %dma_start3A_27 : memref<1x10240xf32, #tpu.memory_space<vmem_shared>> -> memref<10240xf32, #tpu.memory_space<vmem_shared>>
      %dma_start3A_29 = arith.constant 0 : i32
      %dma_start3A_30 = tpu.memref_slice %arg8[%arg1, %dma_start3A_29] : memref<16x10240xf32, #tpu.memory_space<vmem_shared>> -> memref<1x10240xf32, #tpu.memory_space<vmem_shared>>
      %dma_start3A_31 = tpu.memref_squeeze %dma_start3A_30 : memref<1x10240xf32, #tpu.memory_space<vmem_shared>> -> memref<10240xf32, #tpu.memory_space<vmem_shared>>
      tpu.enqueue_dma source(%arg5 : memref<10240xf32, #tpu.memory_space<vmem>>) target(%dma_start3A_31 : memref<10240xf32, #tpu.memory_space<vmem_shared>>) target_semaphore(%run_scoped3A : memref<!tpu.dma_semaphore, #tpu.memory_space<semaphore_mem>>)
      %dma_wait3A = arith.constant 0 : i32
      %dma_wait3A_32 = tpu.memref_slice %arg8[%arg1, %dma_wait3A] : memref<16x10240xf32, #tpu.memory_space<vmem_shared>> -> memref<1x10240xf32, #tpu.memory_space<vmem_shared>>
      %dma_wait3A_33 = tpu.memref_squeeze %dma_wait3A_32 : memref<1x10240xf32, #tpu.memory_space<vmem_shared>> -> memref<10240xf32, #tpu.memory_space<vmem_shared>>
      %dma_wait3A_34 = arith.constant 0 : i32
      %dma_wait3A_35 = tpu.memref_slice %arg8[%arg1, %dma_wait3A_34] : memref<16x10240xf32, #tpu.memory_space<vmem_shared>> -> memref<1x10240xf32, #tpu.memory_space<vmem_shared>>
      %dma_wait3A_36 = tpu.memref_squeeze %dma_wait3A_35 : memref<1x10240xf32, #tpu.memory_space<vmem_shared>> -> memref<10240xf32, #tpu.memory_space<vmem_shared>>
      tpu.wait_dma2 semaphore(%run_scoped3A : memref<!tpu.dma_semaphore, #tpu.memory_space<semaphore_mem>>) src(%arg5 : memref<10240xf32, #tpu.memory_space<vmem>>) dst(%dma_wait3A_36 : memref<10240xf32, #tpu.memory_space<vmem_shared>>)
      tpu.yield
    }) : () -> ()
    %barrier3A = arith.constant 0 : index
    tpu.barrier barrier_id(%barrier3A)
    %scan3A_13 = arith.constant 0 : i32
    %scan3A_14 = arith.constant 40 : i32
    %scan3A_15 = arith.addi %scan3A_13, %scan3A_14 : i32
    %scan3A_16 = arith.constant 1 : i32
    scf.for %scan3A_27 = %scan3A_13 to %scan3A_15 step %scan3A_16  : i32 {
      %broadcast_in_dim3A_28 = arith.constant 0.000000e+00 : f32
      %broadcast_in_dim3A_29 = vector.broadcast %broadcast_in_dim3A_28 : f32 to vector<16xf32>
      %mul3A_30 = arith.constant 16 : i32
      %mul3A_31 = arith.muli %scan3A_27, %mul3A_30 : i32
      %swap3A = arith.index_cast %mul3A_31 : i32 to index
      %swap3A_32 = tpu.vector_load %arg7[%swap3A] {strides = array<i32>} : memref<640xf32, #tpu.memory_space<vmem>>, vector<16xf32>,
      tpu.vector_store %arg7[%swap3A], %broadcast_in_dim3A_29 {strides = array<i32>} : memref<640xf32, #tpu.memory_space<vmem>>, vector<16xf32>,
    }
    %scan3A_17 = arith.constant 40 : i32
    %mul3A_18 = arith.constant 640 : i32
    %mul3A_19 = arith.muli %arg1, %mul3A_18 : i32
    "tpu.region"() ({
      %run_scoped3A = tpu.sem_alloc : memref<!tpu.dma_semaphore, #tpu.memory_space<semaphore_mem>>
      %dma_start3A = arith.constant 0 : i32
      %dma_start3A_27 = tpu.memref_slice %arg8[%dma_start3A, %mul3A_19] : memref<16x10240xf32, #tpu.memory_space<vmem_shared>> -> memref<16x640xf32, #tpu.memory_space<vmem_shared>>
      %dma_start3A_28 = arith.constant 0 : i32
      %dma_start3A_29 = tpu.memref_slice %arg8[%dma_start3A_28, %mul3A_19] : memref<16x10240xf32, #tpu.memory_space<vmem_shared>> -> memref<16x640xf32, #tpu.memory_space<vmem_shared>>
      tpu.enqueue_dma source(%dma_start3A_29 : memref<16x640xf32, #tpu.memory_space<vmem_shared>>) target(%arg6 : memref<16x640xf32, #tpu.memory_space<vmem>>) target_semaphore(%run_scoped3A : memref<!tpu.dma_semaphore, #tpu.memory_space<semaphore_mem>>)
      %dma_wait3A = arith.constant 0 : i32
      %dma_wait3A_30 = tpu.memref_slice %arg8[%dma_wait3A, %mul3A_19] : memref<16x10240xf32, #tpu.memory_space<vmem_shared>> -> memref<16x640xf32, #tpu.memory_space<vmem_shared>>
      %dma_wait3A_31 = arith.constant 0 : i32
      %dma_wait3A_32 = tpu.memref_slice %arg8[%dma_wait3A_31, %mul3A_19] : memref<16x10240xf32, #tpu.memory_space<vmem_shared>> -> memref<16x640xf32, #tpu.memory_space<vmem_shared>>
      tpu.wait_dma2 semaphore(%run_scoped3A : memref<!tpu.dma_semaphore, #tpu.memory_space<semaphore_mem>>) src(%dma_wait3A_32 : memref<16x640xf32, #tpu.memory_space<vmem_shared>>) dst(%arg6 : memref<16x640xf32, #tpu.memory_space<vmem>>)
      tpu.yield
    }) : () -> ()
    %scan3A_20 = arith.constant 0 : i32
    %scan3A_21 = arith.constant 16 : i32
    %scan3A_22 = arith.addi %scan3A_20, %scan3A_21 : i32
    %scan3A_23 = arith.constant 1 : i32
    scf.for %scan3A_27 = %scan3A_20 to %scan3A_22 step %scan3A_23  : i32 {
      %scan3A_28 = arith.constant 0 : i32
      %scan3A_29 = arith.constant 40 : i32
      %scan3A_30 = arith.addi %scan3A_28, %scan3A_29 : i32
      %scan3A_31 = arith.constant 1 : i32
      scf.for %scan3A_33 = %scan3A_28 to %scan3A_30 step %scan3A_31  : i32 {
        %mul3A_34 = arith.constant 16 : i32
        %mul3A_35 = arith.muli %scan3A_33, %mul3A_34 : i32
        %get3A = arith.index_cast %mul3A_35 : i32 to index
        %get3A_36 = tpu.vector_load %arg7[%get3A] {strides = array<i32>} : memref<640xf32, #tpu.memory_space<vmem>>, vector<16xf32>,
        %mul3A_37 = arith.constant 16 : i32
        %mul3A_38 = arith.muli %scan3A_33, %mul3A_37 : i32
        %get3A_39 = arith.index_cast %scan3A_27 : i32 to index
        %get3A_40 = arith.index_cast %mul3A_38 : i32 to index
        %get3A_41 = tpu.vector_load %arg6[%get3A_39, %get3A_40] {strides = array<i32>} : memref<16x640xf32, #tpu.memory_space<vmem>>, vector<16xf32>,
        %add3A_42 = arith.addf %get3A_36, %get3A_41 : vector<16xf32>
        %mul3A_43 = arith.constant 16 : i32
        %mul3A_44 = arith.muli %scan3A_33, %mul3A_43 : i32
        %swap3A = arith.index_cast %mul3A_44 : i32 to index
        %swap3A_45 = tpu.vector_load %arg7[%swap3A] {strides = array<i32>} : memref<640xf32, #tpu.memory_space<vmem>>, vector<16xf32>,
        tpu.vector_store %arg7[%swap3A], %add3A_42 {strides = array<i32>} : memref<640xf32, #tpu.memory_space<vmem>>, vector<16xf32>,
      }
      %scan3A_32 = arith.constant 40 : i32
    }
    %scan3A_24 = arith.constant 16 : i32
    %mul3A_25 = arith.constant 640 : i32
    %mul3A_26 = arith.muli %arg1, %mul3A_25 : i32
    "tpu.region"() ({
      %run_scoped3A = tpu.sem_alloc : memref<!tpu.dma_semaphore, #tpu.memory_space<semaphore_mem>>
      %dma_start3A = tpu.memref_slice %arg3[%arg0, %mul3A_26] : memref<2x10240xf32, #tpu.memory_space<hbm>> -> memref<1x640xf32, #tpu.memory_space<hbm>>
      %dma_start3A_27 = tpu.memref_squeeze %dma_start3A : memref<1x640xf32, #tpu.memory_space<hbm>> -> memref<640xf32, #tpu.memory_space<hbm>>
      %dma_start3A_28 = tpu.memref_slice %arg3[%arg0, %mul3A_26] : memref<2x10240xf32, #tpu.memory_space<hbm>> -> memref<1x640xf32, #tpu.memory_space<hbm>>
      %dma_start3A_29 = tpu.memref_squeeze %dma_start3A_28 : memref<1x640xf32, #tpu.memory_space<hbm>> -> memref<640xf32, #tpu.memory_space<hbm>>
      tpu.enqueue_dma source(%arg7 : memref<640xf32, #tpu.memory_space<vmem>>) target(%dma_start3A_29 : memref<640xf32, #tpu.memory_space<hbm>>) target_semaphore(%run_scoped3A : memref<!tpu.dma_semaphore, #tpu.memory_space<semaphore_mem>>)
      %dma_wait3A = tpu.memref_slice %arg3[%arg0, %mul3A_26] : memref<2x10240xf32, #tpu.memory_space<hbm>> -> memref<1x640xf32, #tpu.memory_space<hbm>>
      %dma_wait3A_30 = tpu.memref_squeeze %dma_wait3A : memref<1x640xf32, #tpu.memory_space<hbm>> -> memref<640xf32, #tpu.memory_space<hbm>>
      %dma_wait3A_31 = tpu.memref_slice %arg3[%arg0, %mul3A_26] : memref<2x10240xf32, #tpu.memory_space<hbm>> -> memref<1x640xf32, #tpu.memory_space<hbm>>
      %dma_wait3A_32 = tpu.memref_squeeze %dma_wait3A_31 : memref<1x640xf32, #tpu.memory_space<hbm>> -> memref<640xf32, #tpu.memory_space<hbm>>
      tpu.wait_dma2 semaphore(%run_scoped3A : memref<!tpu.dma_semaphore, #tpu.memory_space<semaphore_mem>>) src(%arg7 : memref<640xf32, #tpu.memory_space<vmem>>) dst(%dma_wait3A_32 : memref<640xf32, #tpu.memory_space<hbm>>)
      tpu.yield
    }) : () -> ()
    return
  }
}

#map = affine_map<(d0, d1) -> (0, 0)>
#map1 = affine_map<(d0, d1) -> (0, 0, 0)>
module attributes {stable_mosaic.version = 14 : i64} {
  func.func @_msg_kernel(%arg0: i32, %arg1: i32, %arg2: memref<10000x128xf32, #tpu.memory_space<hbm>>, %arg3: memref<32x250x40xi32, #tpu.memory_space<hbm>>, %arg4: memref<32x250x40xi32, #tpu.memory_space<hbm>>, %arg5: memref<625x128xf32, #tpu.memory_space<hbm>>, %arg6: memref<10000x128xf32, #tpu.memory_space<hbm>>, %arg7: memref<10000x128xf32, #tpu.memory_space<hbm>>, %arg8: memref<250x40xi32, #tpu.memory_space<vmem>>, %arg9: memref<250x40xi32, #tpu.memory_space<vmem>>, %arg10: memref<6x40x128xf32, #tpu.memory_space<vmem>>, %arg11: memref<10000x128xf32, #tpu.memory_space<vmem_shared>>, %arg12: memref<6x!tpu.dma_semaphore, #tpu.memory_space<semaphore_mem>>, %arg13: memref<6x!tpu.dma_semaphore, #tpu.memory_space<semaphore_mem>>) attributes {dimension_semantics = [#tpu.dimension_semantics<core_parallel>, #tpu.dimension_semantics<subcore_parallel>], iteration_bounds = array<i64: 2, 16>, scalar_prefetch = 0 : i64, scratch_operands = 6 : i64, tpu.core_type = #tpu.core_type<sc_vector_subcore>, window_params = [{transform_indices = #map}, {transform_indices = #map1}, {transform_indices = #map1}, {transform_indices = #map}, {transform_indices = #map}, {transform_indices = #map}]} {
    %mul3A = arith.constant 2 : i32
    %mul3A_0 = arith.muli %arg1, %mul3A : i32
    %add3A = arith.addi %mul3A_0, %arg0 : i32
    "tpu.region"() ({
      %run_scoped3A = tpu.sem_alloc : memref<!tpu.dma_semaphore, #tpu.memory_space<semaphore_mem>>
      %dma_start3A_292 = arith.constant 0 : i32
      %dma_start3A_293 = arith.constant 0 : i32
      %dma_start3A_294 = tpu.memref_slice %arg3[%add3A, %dma_start3A_292, %dma_start3A_293] : memref<32x250x40xi32, #tpu.memory_space<hbm>> -> memref<1x250x40xi32, #tpu.memory_space<hbm>>
      %dma_start3A_295 = tpu.memref_squeeze %dma_start3A_294 : memref<1x250x40xi32, #tpu.memory_space<hbm>> -> memref<250x40xi32, #tpu.memory_space<hbm>>
      %dma_start3A_296 = arith.constant 0 : i32
      %dma_start3A_297 = arith.constant 0 : i32
      %dma_start3A_298 = tpu.memref_slice %arg3[%add3A, %dma_start3A_296, %dma_start3A_297] : memref<32x250x40xi32, #tpu.memory_space<hbm>> -> memref<1x250x40xi32, #tpu.memory_space<hbm>>
      %dma_start3A_299 = tpu.memref_squeeze %dma_start3A_298 : memref<1x250x40xi32, #tpu.memory_space<hbm>> -> memref<250x40xi32, #tpu.memory_space<hbm>>
      tpu.enqueue_dma source(%dma_start3A_299 : memref<250x40xi32, #tpu.memory_space<hbm>>) target(%arg8 : memref<250x40xi32, #tpu.memory_space<vmem>>) target_semaphore(%run_scoped3A : memref<!tpu.dma_semaphore, #tpu.memory_space<semaphore_mem>>)
      %dma_wait3A_300 = arith.constant 0 : i32
      %dma_wait3A_301 = arith.constant 0 : i32
      %dma_wait3A_302 = tpu.memref_slice %arg3[%add3A, %dma_wait3A_300, %dma_wait3A_301] : memref<32x250x40xi32, #tpu.memory_space<hbm>> -> memref<1x250x40xi32, #tpu.memory_space<hbm>>
      %dma_wait3A_303 = tpu.memref_squeeze %dma_wait3A_302 : memref<1x250x40xi32, #tpu.memory_space<hbm>> -> memref<250x40xi32, #tpu.memory_space<hbm>>
      %dma_wait3A_304 = arith.constant 0 : i32
      %dma_wait3A_305 = arith.constant 0 : i32
      %dma_wait3A_306 = tpu.memref_slice %arg3[%add3A, %dma_wait3A_304, %dma_wait3A_305] : memref<32x250x40xi32, #tpu.memory_space<hbm>> -> memref<1x250x40xi32, #tpu.memory_space<hbm>>
      %dma_wait3A_307 = tpu.memref_squeeze %dma_wait3A_306 : memref<1x250x40xi32, #tpu.memory_space<hbm>> -> memref<250x40xi32, #tpu.memory_space<hbm>>
      tpu.wait_dma2 semaphore(%run_scoped3A : memref<!tpu.dma_semaphore, #tpu.memory_space<semaphore_mem>>) src(%dma_wait3A_307 : memref<250x40xi32, #tpu.memory_space<hbm>>) dst(%arg8 : memref<250x40xi32, #tpu.memory_space<vmem>>)
      tpu.yield
    }) : () -> ()
    "tpu.region"() ({
      %run_scoped3A = tpu.sem_alloc : memref<!tpu.dma_semaphore, #tpu.memory_space<semaphore_mem>>
      %dma_start3A_292 = arith.constant 0 : i32
      %dma_start3A_293 = arith.constant 0 : i32
      %dma_start3A_294 = tpu.memref_slice %arg4[%add3A, %dma_start3A_292, %dma_start3A_293] : memref<32x250x40xi32, #tpu.memory_space<hbm>> -> memref<1x250x40xi32, #tpu.memory_space<hbm>>
      %dma_start3A_295 = tpu.memref_squeeze %dma_start3A_294 : memref<1x250x40xi32, #tpu.memory_space<hbm>> -> memref<250x40xi32, #tpu.memory_space<hbm>>
      %dma_start3A_296 = arith.constant 0 : i32
      %dma_start3A_297 = arith.constant 0 : i32
      %dma_start3A_298 = tpu.memref_slice %arg4[%add3A, %dma_start3A_296, %dma_start3A_297] : memref<32x250x40xi32, #tpu.memory_space<hbm>> -> memref<1x250x40xi32, #tpu.memory_space<hbm>>
      %dma_start3A_299 = tpu.memref_squeeze %dma_start3A_298 : memref<1x250x40xi32, #tpu.memory_space<hbm>> -> memref<250x40xi32, #tpu.memory_space<hbm>>
      tpu.enqueue_dma source(%dma_start3A_299 : memref<250x40xi32, #tpu.memory_space<hbm>>) target(%arg9 : memref<250x40xi32, #tpu.memory_space<vmem>>) target_semaphore(%run_scoped3A : memref<!tpu.dma_semaphore, #tpu.memory_space<semaphore_mem>>)
      %dma_wait3A_300 = arith.constant 0 : i32
      %dma_wait3A_301 = arith.constant 0 : i32
      %dma_wait3A_302 = tpu.memref_slice %arg4[%add3A, %dma_wait3A_300, %dma_wait3A_301] : memref<32x250x40xi32, #tpu.memory_space<hbm>> -> memref<1x250x40xi32, #tpu.memory_space<hbm>>
      %dma_wait3A_303 = tpu.memref_squeeze %dma_wait3A_302 : memref<1x250x40xi32, #tpu.memory_space<hbm>> -> memref<250x40xi32, #tpu.memory_space<hbm>>
      %dma_wait3A_304 = arith.constant 0 : i32
      %dma_wait3A_305 = arith.constant 0 : i32
      %dma_wait3A_306 = tpu.memref_slice %arg4[%add3A, %dma_wait3A_304, %dma_wait3A_305] : memref<32x250x40xi32, #tpu.memory_space<hbm>> -> memref<1x250x40xi32, #tpu.memory_space<hbm>>
      %dma_wait3A_307 = tpu.memref_squeeze %dma_wait3A_306 : memref<1x250x40xi32, #tpu.memory_space<hbm>> -> memref<250x40xi32, #tpu.memory_space<hbm>>
      tpu.wait_dma2 semaphore(%run_scoped3A : memref<!tpu.dma_semaphore, #tpu.memory_space<semaphore_mem>>) src(%dma_wait3A_307 : memref<250x40xi32, #tpu.memory_space<hbm>>) dst(%arg9 : memref<250x40xi32, #tpu.memory_space<vmem>>)
      tpu.yield
    }) : () -> ()
    %mul3A_1 = arith.constant 625 : i32
    %mul3A_2 = arith.muli %arg1, %mul3A_1 : i32
    %eq3A = arith.constant 0 : i32
    %eq3A_3 = arith.cmpi eq, %arg0, %eq3A : i32
    %convert_element_type3A = arith.extui %eq3A_3 : i1 to i32
    %cond3A = arith.constant 0 : i32
    %cond3A_4 = arith.cmpi ne, %convert_element_type3A, %cond3A : i32
    scf.if %cond3A_4 {
      "tpu.region"() ({
        %run_scoped3A = tpu.sem_alloc : memref<!tpu.dma_semaphore, #tpu.memory_space<semaphore_mem>>
        %dma_start3A_292 = arith.constant 0 : i32
        %dma_start3A_293 = tpu.memref_slice %arg11[%mul3A_2, %dma_start3A_292] : memref<10000x128xf32, #tpu.memory_space<vmem_shared>> -> memref<625x128xf32, #tpu.memory_space<vmem_shared>>
        %dma_start3A_294 = arith.constant 0 : i32
        %dma_start3A_295 = tpu.memref_slice %arg2[%mul3A_2, %dma_start3A_294] : memref<10000x128xf32, #tpu.memory_space<hbm>> -> memref<625x128xf32, #tpu.memory_space<hbm>>
        tpu.enqueue_dma source(%dma_start3A_295 : memref<625x128xf32, #tpu.memory_space<hbm>>) target(%dma_start3A_293 : memref<625x128xf32, #tpu.memory_space<vmem_shared>>) target_semaphore(%run_scoped3A : memref<!tpu.dma_semaphore, #tpu.memory_space<semaphore_mem>>)
        %dma_wait3A_296 = arith.constant 0 : i32
        %dma_wait3A_297 = tpu.memref_slice %arg11[%mul3A_2, %dma_wait3A_296] : memref<10000x128xf32, #tpu.memory_space<vmem_shared>> -> memref<625x128xf32, #tpu.memory_space<vmem_shared>>
        %dma_wait3A_298 = arith.constant 0 : i32
        %dma_wait3A_299 = tpu.memref_slice %arg2[%mul3A_2, %dma_wait3A_298] : memref<10000x128xf32, #tpu.memory_space<hbm>> -> memref<625x128xf32, #tpu.memory_space<hbm>>
        tpu.wait_dma2 semaphore(%run_scoped3A : memref<!tpu.dma_semaphore, #tpu.memory_space<semaphore_mem>>) src(%dma_wait3A_299 : memref<625x128xf32, #tpu.memory_space<hbm>>) dst(%dma_wait3A_297 : memref<625x128xf32, #tpu.memory_space<vmem_shared>>)
        tpu.yield
      }) : () -> ()
    } else {
    }
    %ne3A = arith.constant 0 : i32
    %ne3A_5 = arith.cmpi ne, %arg0, %ne3A : i32
    %convert_element_type3A_6 = arith.extui %ne3A_5 : i1 to i32
    %cond3A_7 = arith.constant 0 : i32
    %cond3A_8 = arith.cmpi ne, %convert_element_type3A_6, %cond3A_7 : i32
    scf.if %cond3A_8 {
      "tpu.region"() ({
        %run_scoped3A = tpu.sem_alloc : memref<!tpu.dma_semaphore, #tpu.memory_space<semaphore_mem>>
        %dma_start3A_292 = arith.constant 0 : i32
        %dma_start3A_293 = tpu.memref_slice %arg11[%mul3A_2, %dma_start3A_292] : memref<10000x128xf32, #tpu.memory_space<vmem_shared>> -> memref<625x128xf32, #tpu.memory_space<vmem_shared>>
        tpu.enqueue_dma source(%arg5 : memref<625x128xf32, #tpu.memory_space<hbm>>) target(%dma_start3A_293 : memref<625x128xf32, #tpu.memory_space<vmem_shared>>) target_semaphore(%run_scoped3A : memref<!tpu.dma_semaphore, #tpu.memory_space<semaphore_mem>>)
        %dma_wait3A_294 = arith.constant 0 : i32
        %dma_wait3A_295 = tpu.memref_slice %arg11[%mul3A_2, %dma_wait3A_294] : memref<10000x128xf32, #tpu.memory_space<vmem_shared>> -> memref<625x128xf32, #tpu.memory_space<vmem_shared>>
        tpu.wait_dma2 semaphore(%run_scoped3A : memref<!tpu.dma_semaphore, #tpu.memory_space<semaphore_mem>>) src(%arg5 : memref<625x128xf32, #tpu.memory_space<hbm>>) dst(%dma_wait3A_295 : memref<625x128xf32, #tpu.memory_space<vmem_shared>>)
        tpu.yield
      }) : () -> ()
    } else {
    }
    %barrier3A = arith.constant 0 : index
    tpu.barrier barrier_id(%barrier3A)
    %dma_start3A = arith.constant 0 : i32
    %dma_start3A_9 = arith.constant 0 : i32
    %dma_start3A_10 = arith.constant 0 : i32
    %dma_start3A_11 = arith.constant 0 : i32
    %dma_start3A_12 = arith.constant 0 : i32
    %dma_start3A_13 = tpu.memref_slice %arg10[%dma_start3A_9, %dma_start3A_11, %dma_start3A_12] : memref<6x40x128xf32, #tpu.memory_space<vmem>> -> memref<1x40x128xf32, #tpu.memory_space<vmem>>
    %dma_start3A_14 = tpu.memref_squeeze %dma_start3A_13 : memref<1x40x128xf32, #tpu.memory_space<vmem>> -> memref<40x128xf32, #tpu.memory_space<vmem>>
    %dma_start3A_15 = arith.constant 0 : i32
    %dma_start3A_16 = tpu.memref_slice %arg8[%dma_start3A, %dma_start3A_15] : memref<250x40xi32, #tpu.memory_space<vmem>> -> memref<1x40xi32, #tpu.memory_space<vmem>>
    %dma_start3A_17 = tpu.memref_squeeze %dma_start3A_16 : memref<1x40xi32, #tpu.memory_space<vmem>> -> memref<40xi32, #tpu.memory_space<vmem>>
    %dma_start3A_18 = arith.constant 0 : i32
    %dma_start3A_19 = arith.constant 0 : i32
    %dma_start3A_20 = tpu.memref_slice %arg2[%dma_start3A_18, %dma_start3A_19] : memref<10000x128xf32, #tpu.memory_space<hbm>> -> memref<10000x128xf32, #tpu.memory_space<hbm>>
    %dma_start3A_21 = tpu.memref_slice %arg12[%dma_start3A_10] : memref<6x!tpu.dma_semaphore, #tpu.memory_space<semaphore_mem>> -> memref<1x!tpu.dma_semaphore, #tpu.memory_space<semaphore_mem>>
    %dma_start3A_22 = tpu.memref_squeeze %dma_start3A_21 : memref<1x!tpu.dma_semaphore, #tpu.memory_space<semaphore_mem>> -> memref<!tpu.dma_semaphore, #tpu.memory_space<semaphore_mem>>
    tpu.enqueue_indirect_dma source(%dma_start3A_20 : memref<10000x128xf32, #tpu.memory_space<hbm>>) target(%dma_start3A_14 : memref<40x128xf32, #tpu.memory_space<vmem>>) offsets(%dma_start3A_17 : memref<40xi32, #tpu.memory_space<vmem>>) semaphore(%dma_start3A_22 : memref<!tpu.dma_semaphore, #tpu.memory_space<semaphore_mem>>)
    %dma_start3A_23 = arith.constant 1 : i32
    %dma_start3A_24 = arith.constant 1 : i32
    %dma_start3A_25 = arith.constant 1 : i32
    %dma_start3A_26 = arith.constant 0 : i32
    %dma_start3A_27 = arith.constant 0 : i32
    %dma_start3A_28 = tpu.memref_slice %arg10[%dma_start3A_24, %dma_start3A_26, %dma_start3A_27] : memref<6x40x128xf32, #tpu.memory_space<vmem>> -> memref<1x40x128xf32, #tpu.memory_space<vmem>>
    %dma_start3A_29 = tpu.memref_squeeze %dma_start3A_28 : memref<1x40x128xf32, #tpu.memory_space<vmem>> -> memref<40x128xf32, #tpu.memory_space<vmem>>
    %dma_start3A_30 = arith.constant 0 : i32
    %dma_start3A_31 = tpu.memref_slice %arg8[%dma_start3A_23, %dma_start3A_30] : memref<250x40xi32, #tpu.memory_space<vmem>> -> memref<1x40xi32, #tpu.memory_space<vmem>>
    %dma_start3A_32 = tpu.memref_squeeze %dma_start3A_31 : memref<1x40xi32, #tpu.memory_space<vmem>> -> memref<40xi32, #tpu.memory_space<vmem>>
    %dma_start3A_33 = arith.constant 0 : i32
    %dma_start3A_34 = arith.constant 0 : i32
    %dma_start3A_35 = tpu.memref_slice %arg2[%dma_start3A_33, %dma_start3A_34] : memref<10000x128xf32, #tpu.memory_space<hbm>> -> memref<10000x128xf32, #tpu.memory_space<hbm>>
    %dma_start3A_36 = tpu.memref_slice %arg12[%dma_start3A_25] : memref<6x!tpu.dma_semaphore, #tpu.memory_space<semaphore_mem>> -> memref<1x!tpu.dma_semaphore, #tpu.memory_space<semaphore_mem>>
    %dma_start3A_37 = tpu.memref_squeeze %dma_start3A_36 : memref<1x!tpu.dma_semaphore, #tpu.memory_space<semaphore_mem>> -> memref<!tpu.dma_semaphore, #tpu.memory_space<semaphore_mem>>
    tpu.enqueue_indirect_dma source(%dma_start3A_35 : memref<10000x128xf32, #tpu.memory_space<hbm>>) target(%dma_start3A_29 : memref<40x128xf32, #tpu.memory_space<vmem>>) offsets(%dma_start3A_32 : memref<40xi32, #tpu.memory_space<vmem>>) semaphore(%dma_start3A_37 : memref<!tpu.dma_semaphore, #tpu.memory_space<semaphore_mem>>)
    %dma_start3A_38 = arith.constant 2 : i32
    %dma_start3A_39 = arith.constant 2 : i32
    %dma_start3A_40 = arith.constant 2 : i32
    %dma_start3A_41 = arith.constant 0 : i32
    %dma_start3A_42 = arith.constant 0 : i32
    %dma_start3A_43 = tpu.memref_slice %arg10[%dma_start3A_39, %dma_start3A_41, %dma_start3A_42] : memref<6x40x128xf32, #tpu.memory_space<vmem>> -> memref<1x40x128xf32, #tpu.memory_space<vmem>>
    %dma_start3A_44 = tpu.memref_squeeze %dma_start3A_43 : memref<1x40x128xf32, #tpu.memory_space<vmem>> -> memref<40x128xf32, #tpu.memory_space<vmem>>
    %dma_start3A_45 = arith.constant 0 : i32
    %dma_start3A_46 = tpu.memref_slice %arg8[%dma_start3A_38, %dma_start3A_45] : memref<250x40xi32, #tpu.memory_space<vmem>> -> memref<1x40xi32, #tpu.memory_space<vmem>>
    %dma_start3A_47 = tpu.memref_squeeze %dma_start3A_46 : memref<1x40xi32, #tpu.memory_space<vmem>> -> memref<40xi32, #tpu.memory_space<vmem>>
    %dma_start3A_48 = arith.constant 0 : i32
    %dma_start3A_49 = arith.constant 0 : i32
    %dma_start3A_50 = tpu.memref_slice %arg2[%dma_start3A_48, %dma_start3A_49] : memref<10000x128xf32, #tpu.memory_space<hbm>> -> memref<10000x128xf32, #tpu.memory_space<hbm>>
    %dma_start3A_51 = tpu.memref_slice %arg12[%dma_start3A_40] : memref<6x!tpu.dma_semaphore, #tpu.memory_space<semaphore_mem>> -> memref<1x!tpu.dma_semaphore, #tpu.memory_space<semaphore_mem>>
    %dma_start3A_52 = tpu.memref_squeeze %dma_start3A_51 : memref<1x!tpu.dma_semaphore, #tpu.memory_space<semaphore_mem>> -> memref<!tpu.dma_semaphore, #tpu.memory_space<semaphore_mem>>
    tpu.enqueue_indirect_dma source(%dma_start3A_50 : memref<10000x128xf32, #tpu.memory_space<hbm>>) target(%dma_start3A_44 : memref<40x128xf32, #tpu.memory_space<vmem>>) offsets(%dma_start3A_47 : memref<40xi32, #tpu.memory_space<vmem>>) semaphore(%dma_start3A_52 : memref<!tpu.dma_semaphore, #tpu.memory_space<semaphore_mem>>)
    %dma_start3A_53 = arith.constant 3 : i32
    %dma_start3A_54 = arith.constant 3 : i32
    %dma_start3A_55 = arith.constant 3 : i32
    %dma_start3A_56 = arith.constant 0 : i32
    %dma_start3A_57 = arith.constant 0 : i32
    %dma_start3A_58 = tpu.memref_slice %arg10[%dma_start3A_54, %dma_start3A_56, %dma_start3A_57] : memref<6x40x128xf32, #tpu.memory_space<vmem>> -> memref<1x40x128xf32, #tpu.memory_space<vmem>>
    %dma_start3A_59 = tpu.memref_squeeze %dma_start3A_58 : memref<1x40x128xf32, #tpu.memory_space<vmem>> -> memref<40x128xf32, #tpu.memory_space<vmem>>
    %dma_start3A_60 = arith.constant 0 : i32
    %dma_start3A_61 = tpu.memref_slice %arg8[%dma_start3A_53, %dma_start3A_60] : memref<250x40xi32, #tpu.memory_space<vmem>> -> memref<1x40xi32, #tpu.memory_space<vmem>>
    %dma_start3A_62 = tpu.memref_squeeze %dma_start3A_61 : memref<1x40xi32, #tpu.memory_space<vmem>> -> memref<40xi32, #tpu.memory_space<vmem>>
    %dma_start3A_63 = arith.constant 0 : i32
    %dma_start3A_64 = arith.constant 0 : i32
    %dma_start3A_65 = tpu.memref_slice %arg2[%dma_start3A_63, %dma_start3A_64] : memref<10000x128xf32, #tpu.memory_space<hbm>> -> memref<10000x128xf32, #tpu.memory_space<hbm>>
    %dma_start3A_66 = tpu.memref_slice %arg12[%dma_start3A_55] : memref<6x!tpu.dma_semaphore, #tpu.memory_space<semaphore_mem>> -> memref<1x!tpu.dma_semaphore, #tpu.memory_space<semaphore_mem>>
    %dma_start3A_67 = tpu.memref_squeeze %dma_start3A_66 : memref<1x!tpu.dma_semaphore, #tpu.memory_space<semaphore_mem>> -> memref<!tpu.dma_semaphore, #tpu.memory_space<semaphore_mem>>
    tpu.enqueue_indirect_dma source(%dma_start3A_65 : memref<10000x128xf32, #tpu.memory_space<hbm>>) target(%dma_start3A_59 : memref<40x128xf32, #tpu.memory_space<vmem>>) offsets(%dma_start3A_62 : memref<40xi32, #tpu.memory_space<vmem>>) semaphore(%dma_start3A_67 : memref<!tpu.dma_semaphore, #tpu.memory_space<semaphore_mem>>)
    %dma_start3A_68 = arith.constant 4 : i32
    %dma_start3A_69 = arith.constant 4 : i32
    %dma_start3A_70 = arith.constant 4 : i32
    %dma_start3A_71 = arith.constant 0 : i32
    %dma_start3A_72 = arith.constant 0 : i32
    %dma_start3A_73 = tpu.memref_slice %arg10[%dma_start3A_69, %dma_start3A_71, %dma_start3A_72] : memref<6x40x128xf32, #tpu.memory_space<vmem>> -> memref<1x40x128xf32, #tpu.memory_space<vmem>>
    %dma_start3A_74 = tpu.memref_squeeze %dma_start3A_73 : memref<1x40x128xf32, #tpu.memory_space<vmem>> -> memref<40x128xf32, #tpu.memory_space<vmem>>
    %dma_start3A_75 = arith.constant 0 : i32
    %dma_start3A_76 = tpu.memref_slice %arg8[%dma_start3A_68, %dma_start3A_75] : memref<250x40xi32, #tpu.memory_space<vmem>> -> memref<1x40xi32, #tpu.memory_space<vmem>>
    %dma_start3A_77 = tpu.memref_squeeze %dma_start3A_76 : memref<1x40xi32, #tpu.memory_space<vmem>> -> memref<40xi32, #tpu.memory_space<vmem>>
    %dma_start3A_78 = arith.constant 0 : i32
    %dma_start3A_79 = arith.constant 0 : i32
    %dma_start3A_80 = tpu.memref_slice %arg2[%dma_start3A_78, %dma_start3A_79] : memref<10000x128xf32, #tpu.memory_space<hbm>> -> memref<10000x128xf32, #tpu.memory_space<hbm>>
    %dma_start3A_81 = tpu.memref_slice %arg12[%dma_start3A_70] : memref<6x!tpu.dma_semaphore, #tpu.memory_space<semaphore_mem>> -> memref<1x!tpu.dma_semaphore, #tpu.memory_space<semaphore_mem>>
    %dma_start3A_82 = tpu.memref_squeeze %dma_start3A_81 : memref<1x!tpu.dma_semaphore, #tpu.memory_space<semaphore_mem>> -> memref<!tpu.dma_semaphore, #tpu.memory_space<semaphore_mem>>
    tpu.enqueue_indirect_dma source(%dma_start3A_80 : memref<10000x128xf32, #tpu.memory_space<hbm>>) target(%dma_start3A_74 : memref<40x128xf32, #tpu.memory_space<vmem>>) offsets(%dma_start3A_77 : memref<40xi32, #tpu.memory_space<vmem>>) semaphore(%dma_start3A_82 : memref<!tpu.dma_semaphore, #tpu.memory_space<semaphore_mem>>)
    %dma_start3A_83 = arith.constant 5 : i32
    %dma_start3A_84 = arith.constant 5 : i32
    %dma_start3A_85 = arith.constant 5 : i32
    %dma_start3A_86 = arith.constant 0 : i32
    %dma_start3A_87 = arith.constant 0 : i32
    %dma_start3A_88 = tpu.memref_slice %arg10[%dma_start3A_84, %dma_start3A_86, %dma_start3A_87] : memref<6x40x128xf32, #tpu.memory_space<vmem>> -> memref<1x40x128xf32, #tpu.memory_space<vmem>>
    %dma_start3A_89 = tpu.memref_squeeze %dma_start3A_88 : memref<1x40x128xf32, #tpu.memory_space<vmem>> -> memref<40x128xf32, #tpu.memory_space<vmem>>
    %dma_start3A_90 = arith.constant 0 : i32
    %dma_start3A_91 = tpu.memref_slice %arg8[%dma_start3A_83, %dma_start3A_90] : memref<250x40xi32, #tpu.memory_space<vmem>> -> memref<1x40xi32, #tpu.memory_space<vmem>>
    %dma_start3A_92 = tpu.memref_squeeze %dma_start3A_91 : memref<1x40xi32, #tpu.memory_space<vmem>> -> memref<40xi32, #tpu.memory_space<vmem>>
    %dma_start3A_93 = arith.constant 0 : i32
    %dma_start3A_94 = arith.constant 0 : i32
    %dma_start3A_95 = tpu.memref_slice %arg2[%dma_start3A_93, %dma_start3A_94] : memref<10000x128xf32, #tpu.memory_space<hbm>> -> memref<10000x128xf32, #tpu.memory_space<hbm>>
    %dma_start3A_96 = tpu.memref_slice %arg12[%dma_start3A_85] : memref<6x!tpu.dma_semaphore, #tpu.memory_space<semaphore_mem>> -> memref<1x!tpu.dma_semaphore, #tpu.memory_space<semaphore_mem>>
    %dma_start3A_97 = tpu.memref_squeeze %dma_start3A_96 : memref<1x!tpu.dma_semaphore, #tpu.memory_space<semaphore_mem>> -> memref<!tpu.dma_semaphore, #tpu.memory_space<semaphore_mem>>
    tpu.enqueue_indirect_dma source(%dma_start3A_95 : memref<10000x128xf32, #tpu.memory_space<hbm>>) target(%dma_start3A_89 : memref<40x128xf32, #tpu.memory_space<vmem>>) offsets(%dma_start3A_92 : memref<40xi32, #tpu.memory_space<vmem>>) semaphore(%dma_start3A_97 : memref<!tpu.dma_semaphore, #tpu.memory_space<semaphore_mem>>)
    %scan3A = arith.constant 0 : i32
    %scan3A_98 = arith.constant 41 : i32
    %scan3A_99 = arith.addi %scan3A, %scan3A_98 : i32
    %scan3A_100 = arith.constant 1 : i32
    scf.for %scan3A_292 = %scan3A to %scan3A_99 step %scan3A_100  : i32 {
      %mul3A_293 = arith.constant 6 : i32
      %mul3A_294 = arith.muli %scan3A_292, %mul3A_293 : i32
      %add3A_295 = arith.constant 0 : i32
      %add3A_296 = arith.addi %mul3A_294, %add3A_295 : i32
      %dma_wait3A_297 = arith.constant 0 : i32
      %dma_wait3A_298 = arith.constant 0 : i32
      %dma_wait3A_299 = arith.constant 0 : i32
      %dma_wait3A_300 = arith.constant 0 : i32
      %dma_wait3A_301 = tpu.memref_slice %arg10[%dma_wait3A_297, %dma_wait3A_299, %dma_wait3A_300] : memref<6x40x128xf32, #tpu.memory_space<vmem>> -> memref<1x40x128xf32, #tpu.memory_space<vmem>>
      %dma_wait3A_302 = tpu.memref_squeeze %dma_wait3A_301 : memref<1x40x128xf32, #tpu.memory_space<vmem>> -> memref<40x128xf32, #tpu.memory_space<vmem>>
      %dma_wait3A_303 = arith.constant 0 : i32
      %dma_wait3A_304 = tpu.memref_slice %arg8[%add3A_296, %dma_wait3A_303] : memref<250x40xi32, #tpu.memory_space<vmem>> -> memref<1x40xi32, #tpu.memory_space<vmem>>
      %dma_wait3A_305 = tpu.memref_squeeze %dma_wait3A_304 : memref<1x40xi32, #tpu.memory_space<vmem>> -> memref<40xi32, #tpu.memory_space<vmem>>
      %dma_wait3A_306 = arith.constant 0 : i32
      %dma_wait3A_307 = arith.constant 0 : i32
      %dma_wait3A_308 = tpu.memref_slice %arg2[%dma_wait3A_306, %dma_wait3A_307] : memref<10000x128xf32, #tpu.memory_space<hbm>> -> memref<10000x128xf32, #tpu.memory_space<hbm>>
      %dma_wait3A_309 = tpu.memref_slice %arg12[%dma_wait3A_298] : memref<6x!tpu.dma_semaphore, #tpu.memory_space<semaphore_mem>> -> memref<1x!tpu.dma_semaphore, #tpu.memory_space<semaphore_mem>>
      %dma_wait3A_310 = tpu.memref_squeeze %dma_wait3A_309 : memref<1x!tpu.dma_semaphore, #tpu.memory_space<semaphore_mem>> -> memref<!tpu.dma_semaphore, #tpu.memory_space<semaphore_mem>>
      tpu.wait_indirect_dma semaphore(%dma_wait3A_310 : memref<!tpu.dma_semaphore, #tpu.memory_space<semaphore_mem>>) src(%dma_wait3A_308 : memref<10000x128xf32, #tpu.memory_space<hbm>>) dst(%dma_wait3A_302 : memref<40x128xf32, #tpu.memory_space<vmem>>)
      %dma_start3A_311 = arith.constant 0 : i32
      %dma_start3A_312 = arith.constant 0 : i32
      %dma_start3A_313 = arith.constant 0 : i32
      %dma_start3A_314 = arith.constant 0 : i32
      %dma_start3A_315 = tpu.memref_slice %arg10[%dma_start3A_311, %dma_start3A_313, %dma_start3A_314] : memref<6x40x128xf32, #tpu.memory_space<vmem>> -> memref<1x40x128xf32, #tpu.memory_space<vmem>>
      %dma_start3A_316 = tpu.memref_squeeze %dma_start3A_315 : memref<1x40x128xf32, #tpu.memory_space<vmem>> -> memref<40x128xf32, #tpu.memory_space<vmem>>
      %dma_start3A_317 = arith.constant 0 : i32
      %dma_start3A_318 = tpu.memref_slice %arg9[%add3A_296, %dma_start3A_317] : memref<250x40xi32, #tpu.memory_space<vmem>> -> memref<1x40xi32, #tpu.memory_space<vmem>>
      %dma_start3A_319 = tpu.memref_squeeze %dma_start3A_318 : memref<1x40xi32, #tpu.memory_space<vmem>> -> memref<40xi32, #tpu.memory_space<vmem>>
      %dma_start3A_320 = arith.constant 0 : i32
      %dma_start3A_321 = arith.constant 0 : i32
      %dma_start3A_322 = tpu.memref_slice %arg11[%dma_start3A_320, %dma_start3A_321] : memref<10000x128xf32, #tpu.memory_space<vmem_shared>> -> memref<10000x128xf32, #tpu.memory_space<vmem_shared>>
      %dma_start3A_323 = tpu.memref_slice %arg13[%dma_start3A_312] : memref<6x!tpu.dma_semaphore, #tpu.memory_space<semaphore_mem>> -> memref<1x!tpu.dma_semaphore, #tpu.memory_space<semaphore_mem>>
      %dma_start3A_324 = tpu.memref_squeeze %dma_start3A_323 : memref<1x!tpu.dma_semaphore, #tpu.memory_space<semaphore_mem>> -> memref<!tpu.dma_semaphore, #tpu.memory_space<semaphore_mem>>
      tpu.enqueue_indirect_dma source(%dma_start3A_316 : memref<40x128xf32, #tpu.memory_space<vmem>>) target(%dma_start3A_322 : memref<10000x128xf32, #tpu.memory_space<vmem_shared>>) offsets(%dma_start3A_319 : memref<40xi32, #tpu.memory_space<vmem>>) semaphore(%dma_start3A_324 : memref<!tpu.dma_semaphore, #tpu.memory_space<semaphore_mem>>) {add = true}
      %mul3A_325 = arith.constant 6 : i32
      %mul3A_326 = arith.muli %scan3A_292, %mul3A_325 : i32
      %add3A_327 = arith.constant 1 : i32
      %add3A_328 = arith.addi %mul3A_326, %add3A_327 : i32
      %dma_wait3A_329 = arith.constant 1 : i32
      %dma_wait3A_330 = arith.constant 1 : i32
      %dma_wait3A_331 = arith.constant 0 : i32
      %dma_wait3A_332 = arith.constant 0 : i32
      %dma_wait3A_333 = tpu.memref_slice %arg10[%dma_wait3A_329, %dma_wait3A_331, %dma_wait3A_332] : memref<6x40x128xf32, #tpu.memory_space<vmem>> -> memref<1x40x128xf32, #tpu.memory_space<vmem>>
      %dma_wait3A_334 = tpu.memref_squeeze %dma_wait3A_333 : memref<1x40x128xf32, #tpu.memory_space<vmem>> -> memref<40x128xf32, #tpu.memory_space<vmem>>
      %dma_wait3A_335 = arith.constant 0 : i32
      %dma_wait3A_336 = tpu.memref_slice %arg8[%add3A_328, %dma_wait3A_335] : memref<250x40xi32, #tpu.memory_space<vmem>> -> memref<1x40xi32, #tpu.memory_space<vmem>>
      %dma_wait3A_337 = tpu.memref_squeeze %dma_wait3A_336 : memref<1x40xi32, #tpu.memory_space<vmem>> -> memref<40xi32, #tpu.memory_space<vmem>>
      %dma_wait3A_338 = arith.constant 0 : i32
      %dma_wait3A_339 = arith.constant 0 : i32
      %dma_wait3A_340 = tpu.memref_slice %arg2[%dma_wait3A_338, %dma_wait3A_339] : memref<10000x128xf32, #tpu.memory_space<hbm>> -> memref<10000x128xf32, #tpu.memory_space<hbm>>
      %dma_wait3A_341 = tpu.memref_slice %arg12[%dma_wait3A_330] : memref<6x!tpu.dma_semaphore, #tpu.memory_space<semaphore_mem>> -> memref<1x!tpu.dma_semaphore, #tpu.memory_space<semaphore_mem>>
      %dma_wait3A_342 = tpu.memref_squeeze %dma_wait3A_341 : memref<1x!tpu.dma_semaphore, #tpu.memory_space<semaphore_mem>> -> memref<!tpu.dma_semaphore, #tpu.memory_space<semaphore_mem>>
      tpu.wait_indirect_dma semaphore(%dma_wait3A_342 : memref<!tpu.dma_semaphore, #tpu.memory_space<semaphore_mem>>) src(%dma_wait3A_340 : memref<10000x128xf32, #tpu.memory_space<hbm>>) dst(%dma_wait3A_334 : memref<40x128xf32, #tpu.memory_space<vmem>>)
      %dma_start3A_343 = arith.constant 1 : i32
      %dma_start3A_344 = arith.constant 1 : i32
      %dma_start3A_345 = arith.constant 0 : i32
      %dma_start3A_346 = arith.constant 0 : i32
      %dma_start3A_347 = tpu.memref_slice %arg10[%dma_start3A_343, %dma_start3A_345, %dma_start3A_346] : memref<6x40x128xf32, #tpu.memory_space<vmem>> -> memref<1x40x128xf32, #tpu.memory_space<vmem>>
      %dma_start3A_348 = tpu.memref_squeeze %dma_start3A_347 : memref<1x40x128xf32, #tpu.memory_space<vmem>> -> memref<40x128xf32, #tpu.memory_space<vmem>>
      %dma_start3A_349 = arith.constant 0 : i32
      %dma_start3A_350 = tpu.memref_slice %arg9[%add3A_328, %dma_start3A_349] : memref<250x40xi32, #tpu.memory_space<vmem>> -> memref<1x40xi32, #tpu.memory_space<vmem>>
      %dma_start3A_351 = tpu.memref_squeeze %dma_start3A_350 : memref<1x40xi32, #tpu.memory_space<vmem>> -> memref<40xi32, #tpu.memory_space<vmem>>
      %dma_start3A_352 = arith.constant 0 : i32
      %dma_start3A_353 = arith.constant 0 : i32
      %dma_start3A_354 = tpu.memref_slice %arg11[%dma_start3A_352, %dma_start3A_353] : memref<10000x128xf32, #tpu.memory_space<vmem_shared>> -> memref<10000x128xf32, #tpu.memory_space<vmem_shared>>
      %dma_start3A_355 = tpu.memref_slice %arg13[%dma_start3A_344] : memref<6x!tpu.dma_semaphore, #tpu.memory_space<semaphore_mem>> -> memref<1x!tpu.dma_semaphore, #tpu.memory_space<semaphore_mem>>
      %dma_start3A_356 = tpu.memref_squeeze %dma_start3A_355 : memref<1x!tpu.dma_semaphore, #tpu.memory_space<semaphore_mem>> -> memref<!tpu.dma_semaphore, #tpu.memory_space<semaphore_mem>>
      tpu.enqueue_indirect_dma source(%dma_start3A_348 : memref<40x128xf32, #tpu.memory_space<vmem>>) target(%dma_start3A_354 : memref<10000x128xf32, #tpu.memory_space<vmem_shared>>) offsets(%dma_start3A_351 : memref<40xi32, #tpu.memory_space<vmem>>) semaphore(%dma_start3A_356 : memref<!tpu.dma_semaphore, #tpu.memory_space<semaphore_mem>>) {add = true}
      %mul3A_357 = arith.constant 6 : i32
      %mul3A_358 = arith.muli %scan3A_292, %mul3A_357 : i32
      %add3A_359 = arith.constant 2 : i32
      %add3A_360 = arith.addi %mul3A_358, %add3A_359 : i32
      %dma_wait3A_361 = arith.constant 2 : i32
      %dma_wait3A_362 = arith.constant 2 : i32
      %dma_wait3A_363 = arith.constant 0 : i32
      %dma_wait3A_364 = arith.constant 0 : i32
      %dma_wait3A_365 = tpu.memref_slice %arg10[%dma_wait3A_361, %dma_wait3A_363, %dma_wait3A_364] : memref<6x40x128xf32, #tpu.memory_space<vmem>> -> memref<1x40x128xf32, #tpu.memory_space<vmem>>
      %dma_wait3A_366 = tpu.memref_squeeze %dma_wait3A_365 : memref<1x40x128xf32, #tpu.memory_space<vmem>> -> memref<40x128xf32, #tpu.memory_space<vmem>>
      %dma_wait3A_367 = arith.constant 0 : i32
      %dma_wait3A_368 = tpu.memref_slice %arg8[%add3A_360, %dma_wait3A_367] : memref<250x40xi32, #tpu.memory_space<vmem>> -> memref<1x40xi32, #tpu.memory_space<vmem>>
      %dma_wait3A_369 = tpu.memref_squeeze %dma_wait3A_368 : memref<1x40xi32, #tpu.memory_space<vmem>> -> memref<40xi32, #tpu.memory_space<vmem>>
      %dma_wait3A_370 = arith.constant 0 : i32
      %dma_wait3A_371 = arith.constant 0 : i32
      %dma_wait3A_372 = tpu.memref_slice %arg2[%dma_wait3A_370, %dma_wait3A_371] : memref<10000x128xf32, #tpu.memory_space<hbm>> -> memref<10000x128xf32, #tpu.memory_space<hbm>>
      %dma_wait3A_373 = tpu.memref_slice %arg12[%dma_wait3A_362] : memref<6x!tpu.dma_semaphore, #tpu.memory_space<semaphore_mem>> -> memref<1x!tpu.dma_semaphore, #tpu.memory_space<semaphore_mem>>
      %dma_wait3A_374 = tpu.memref_squeeze %dma_wait3A_373 : memref<1x!tpu.dma_semaphore, #tpu.memory_space<semaphore_mem>> -> memref<!tpu.dma_semaphore, #tpu.memory_space<semaphore_mem>>
      tpu.wait_indirect_dma semaphore(%dma_wait3A_374 : memref<!tpu.dma_semaphore, #tpu.memory_space<semaphore_mem>>) src(%dma_wait3A_372 : memref<10000x128xf32, #tpu.memory_space<hbm>>) dst(%dma_wait3A_366 : memref<40x128xf32, #tpu.memory_space<vmem>>)
      %dma_start3A_375 = arith.constant 2 : i32
      %dma_start3A_376 = arith.constant 2 : i32
      %dma_start3A_377 = arith.constant 0 : i32
      %dma_start3A_378 = arith.constant 0 : i32
      %dma_start3A_379 = tpu.memref_slice %arg10[%dma_start3A_375, %dma_start3A_377, %dma_start3A_378] : memref<6x40x128xf32, #tpu.memory_space<vmem>> -> memref<1x40x128xf32, #tpu.memory_space<vmem>>
      %dma_start3A_380 = tpu.memref_squeeze %dma_start3A_379 : memref<1x40x128xf32, #tpu.memory_space<vmem>> -> memref<40x128xf32, #tpu.memory_space<vmem>>
      %dma_start3A_381 = arith.constant 0 : i32
      %dma_start3A_382 = tpu.memref_slice %arg9[%add3A_360, %dma_start3A_381] : memref<250x40xi32, #tpu.memory_space<vmem>> -> memref<1x40xi32, #tpu.memory_space<vmem>>
      %dma_start3A_383 = tpu.memref_squeeze %dma_start3A_382 : memref<1x40xi32, #tpu.memory_space<vmem>> -> memref<40xi32, #tpu.memory_space<vmem>>
      %dma_start3A_384 = arith.constant 0 : i32
      %dma_start3A_385 = arith.constant 0 : i32
      %dma_start3A_386 = tpu.memref_slice %arg11[%dma_start3A_384, %dma_start3A_385] : memref<10000x128xf32, #tpu.memory_space<vmem_shared>> -> memref<10000x128xf32, #tpu.memory_space<vmem_shared>>
      %dma_start3A_387 = tpu.memref_slice %arg13[%dma_start3A_376] : memref<6x!tpu.dma_semaphore, #tpu.memory_space<semaphore_mem>> -> memref<1x!tpu.dma_semaphore, #tpu.memory_space<semaphore_mem>>
      %dma_start3A_388 = tpu.memref_squeeze %dma_start3A_387 : memref<1x!tpu.dma_semaphore, #tpu.memory_space<semaphore_mem>> -> memref<!tpu.dma_semaphore, #tpu.memory_space<semaphore_mem>>
      tpu.enqueue_indirect_dma source(%dma_start3A_380 : memref<40x128xf32, #tpu.memory_space<vmem>>) target(%dma_start3A_386 : memref<10000x128xf32, #tpu.memory_space<vmem_shared>>) offsets(%dma_start3A_383 : memref<40xi32, #tpu.memory_space<vmem>>) semaphore(%dma_start3A_388 : memref<!tpu.dma_semaphore, #tpu.memory_space<semaphore_mem>>) {add = true}
      %mul3A_389 = arith.constant 6 : i32
      %mul3A_390 = arith.muli %scan3A_292, %mul3A_389 : i32
      %add3A_391 = arith.constant 3 : i32
      %add3A_392 = arith.addi %mul3A_390, %add3A_391 : i32
      %dma_wait3A_393 = arith.constant 3 : i32
      %dma_wait3A_394 = arith.constant 3 : i32
      %dma_wait3A_395 = arith.constant 0 : i32
      %dma_wait3A_396 = arith.constant 0 : i32
      %dma_wait3A_397 = tpu.memref_slice %arg10[%dma_wait3A_393, %dma_wait3A_395, %dma_wait3A_396] : memref<6x40x128xf32, #tpu.memory_space<vmem>> -> memref<1x40x128xf32, #tpu.memory_space<vmem>>
      %dma_wait3A_398 = tpu.memref_squeeze %dma_wait3A_397 : memref<1x40x128xf32, #tpu.memory_space<vmem>> -> memref<40x128xf32, #tpu.memory_space<vmem>>
      %dma_wait3A_399 = arith.constant 0 : i32
      %dma_wait3A_400 = tpu.memref_slice %arg8[%add3A_392, %dma_wait3A_399] : memref<250x40xi32, #tpu.memory_space<vmem>> -> memref<1x40xi32, #tpu.memory_space<vmem>>
      %dma_wait3A_401 = tpu.memref_squeeze %dma_wait3A_400 : memref<1x40xi32, #tpu.memory_space<vmem>> -> memref<40xi32, #tpu.memory_space<vmem>>
      %dma_wait3A_402 = arith.constant 0 : i32
      %dma_wait3A_403 = arith.constant 0 : i32
      %dma_wait3A_404 = tpu.memref_slice %arg2[%dma_wait3A_402, %dma_wait3A_403] : memref<10000x128xf32, #tpu.memory_space<hbm>> -> memref<10000x128xf32, #tpu.memory_space<hbm>>
      %dma_wait3A_405 = tpu.memref_slice %arg12[%dma_wait3A_394] : memref<6x!tpu.dma_semaphore, #tpu.memory_space<semaphore_mem>> -> memref<1x!tpu.dma_semaphore, #tpu.memory_space<semaphore_mem>>
      %dma_wait3A_406 = tpu.memref_squeeze %dma_wait3A_405 : memref<1x!tpu.dma_semaphore, #tpu.memory_space<semaphore_mem>> -> memref<!tpu.dma_semaphore, #tpu.memory_space<semaphore_mem>>
      tpu.wait_indirect_dma semaphore(%dma_wait3A_406 : memref<!tpu.dma_semaphore, #tpu.memory_space<semaphore_mem>>) src(%dma_wait3A_404 : memref<10000x128xf32, #tpu.memory_space<hbm>>) dst(%dma_wait3A_398 : memref<40x128xf32, #tpu.memory_space<vmem>>)
      %dma_start3A_407 = arith.constant 3 : i32
      %dma_start3A_408 = arith.constant 3 : i32
      %dma_start3A_409 = arith.constant 0 : i32
      %dma_start3A_410 = arith.constant 0 : i32
      %dma_start3A_411 = tpu.memref_slice %arg10[%dma_start3A_407, %dma_start3A_409, %dma_start3A_410] : memref<6x40x128xf32, #tpu.memory_space<vmem>> -> memref<1x40x128xf32, #tpu.memory_space<vmem>>
      %dma_start3A_412 = tpu.memref_squeeze %dma_start3A_411 : memref<1x40x128xf32, #tpu.memory_space<vmem>> -> memref<40x128xf32, #tpu.memory_space<vmem>>
      %dma_start3A_413 = arith.constant 0 : i32
      %dma_start3A_414 = tpu.memref_slice %arg9[%add3A_392, %dma_start3A_413] : memref<250x40xi32, #tpu.memory_space<vmem>> -> memref<1x40xi32, #tpu.memory_space<vmem>>
      %dma_start3A_415 = tpu.memref_squeeze %dma_start3A_414 : memref<1x40xi32, #tpu.memory_space<vmem>> -> memref<40xi32, #tpu.memory_space<vmem>>
      %dma_start3A_416 = arith.constant 0 : i32
      %dma_start3A_417 = arith.constant 0 : i32
      %dma_start3A_418 = tpu.memref_slice %arg11[%dma_start3A_416, %dma_start3A_417] : memref<10000x128xf32, #tpu.memory_space<vmem_shared>> -> memref<10000x128xf32, #tpu.memory_space<vmem_shared>>
      %dma_start3A_419 = tpu.memref_slice %arg13[%dma_start3A_408] : memref<6x!tpu.dma_semaphore, #tpu.memory_space<semaphore_mem>> -> memref<1x!tpu.dma_semaphore, #tpu.memory_space<semaphore_mem>>
      %dma_start3A_420 = tpu.memref_squeeze %dma_start3A_419 : memref<1x!tpu.dma_semaphore, #tpu.memory_space<semaphore_mem>> -> memref<!tpu.dma_semaphore, #tpu.memory_space<semaphore_mem>>
      tpu.enqueue_indirect_dma source(%dma_start3A_412 : memref<40x128xf32, #tpu.memory_space<vmem>>) target(%dma_start3A_418 : memref<10000x128xf32, #tpu.memory_space<vmem_shared>>) offsets(%dma_start3A_415 : memref<40xi32, #tpu.memory_space<vmem>>) semaphore(%dma_start3A_420 : memref<!tpu.dma_semaphore, #tpu.memory_space<semaphore_mem>>) {add = true}
      %mul3A_421 = arith.constant 6 : i32
      %mul3A_422 = arith.muli %scan3A_292, %mul3A_421 : i32
      %add3A_423 = arith.constant 4 : i32
      %add3A_424 = arith.addi %mul3A_422, %add3A_423 : i32
      %dma_wait3A_425 = arith.constant 4 : i32
      %dma_wait3A_426 = arith.constant 4 : i32
      %dma_wait3A_427 = arith.constant 0 : i32
      %dma_wait3A_428 = arith.constant 0 : i32
      %dma_wait3A_429 = tpu.memref_slice %arg10[%dma_wait3A_425, %dma_wait3A_427, %dma_wait3A_428] : memref<6x40x128xf32, #tpu.memory_space<vmem>> -> memref<1x40x128xf32, #tpu.memory_space<vmem>>
      %dma_wait3A_430 = tpu.memref_squeeze %dma_wait3A_429 : memref<1x40x128xf32, #tpu.memory_space<vmem>> -> memref<40x128xf32, #tpu.memory_space<vmem>>
      %dma_wait3A_431 = arith.constant 0 : i32
      %dma_wait3A_432 = tpu.memref_slice %arg8[%add3A_424, %dma_wait3A_431] : memref<250x40xi32, #tpu.memory_space<vmem>> -> memref<1x40xi32, #tpu.memory_space<vmem>>
      %dma_wait3A_433 = tpu.memref_squeeze %dma_wait3A_432 : memref<1x40xi32, #tpu.memory_space<vmem>> -> memref<40xi32, #tpu.memory_space<vmem>>
      %dma_wait3A_434 = arith.constant 0 : i32
      %dma_wait3A_435 = arith.constant 0 : i32
      %dma_wait3A_436 = tpu.memref_slice %arg2[%dma_wait3A_434, %dma_wait3A_435] : memref<10000x128xf32, #tpu.memory_space<hbm>> -> memref<10000x128xf32, #tpu.memory_space<hbm>>
      %dma_wait3A_437 = tpu.memref_slice %arg12[%dma_wait3A_426] : memref<6x!tpu.dma_semaphore, #tpu.memory_space<semaphore_mem>> -> memref<1x!tpu.dma_semaphore, #tpu.memory_space<semaphore_mem>>
      %dma_wait3A_438 = tpu.memref_squeeze %dma_wait3A_437 : memref<1x!tpu.dma_semaphore, #tpu.memory_space<semaphore_mem>> -> memref<!tpu.dma_semaphore, #tpu.memory_space<semaphore_mem>>
      tpu.wait_indirect_dma semaphore(%dma_wait3A_438 : memref<!tpu.dma_semaphore, #tpu.memory_space<semaphore_mem>>) src(%dma_wait3A_436 : memref<10000x128xf32, #tpu.memory_space<hbm>>) dst(%dma_wait3A_430 : memref<40x128xf32, #tpu.memory_space<vmem>>)
      %dma_start3A_439 = arith.constant 4 : i32
      %dma_start3A_440 = arith.constant 4 : i32
      %dma_start3A_441 = arith.constant 0 : i32
      %dma_start3A_442 = arith.constant 0 : i32
      %dma_start3A_443 = tpu.memref_slice %arg10[%dma_start3A_439, %dma_start3A_441, %dma_start3A_442] : memref<6x40x128xf32, #tpu.memory_space<vmem>> -> memref<1x40x128xf32, #tpu.memory_space<vmem>>
      %dma_start3A_444 = tpu.memref_squeeze %dma_start3A_443 : memref<1x40x128xf32, #tpu.memory_space<vmem>> -> memref<40x128xf32, #tpu.memory_space<vmem>>
      %dma_start3A_445 = arith.constant 0 : i32
      %dma_start3A_446 = tpu.memref_slice %arg9[%add3A_424, %dma_start3A_445] : memref<250x40xi32, #tpu.memory_space<vmem>> -> memref<1x40xi32, #tpu.memory_space<vmem>>
      %dma_start3A_447 = tpu.memref_squeeze %dma_start3A_446 : memref<1x40xi32, #tpu.memory_space<vmem>> -> memref<40xi32, #tpu.memory_space<vmem>>
      %dma_start3A_448 = arith.constant 0 : i32
      %dma_start3A_449 = arith.constant 0 : i32
      %dma_start3A_450 = tpu.memref_slice %arg11[%dma_start3A_448, %dma_start3A_449] : memref<10000x128xf32, #tpu.memory_space<vmem_shared>> -> memref<10000x128xf32, #tpu.memory_space<vmem_shared>>
      %dma_start3A_451 = tpu.memref_slice %arg13[%dma_start3A_440] : memref<6x!tpu.dma_semaphore, #tpu.memory_space<semaphore_mem>> -> memref<1x!tpu.dma_semaphore, #tpu.memory_space<semaphore_mem>>
      %dma_start3A_452 = tpu.memref_squeeze %dma_start3A_451 : memref<1x!tpu.dma_semaphore, #tpu.memory_space<semaphore_mem>> -> memref<!tpu.dma_semaphore, #tpu.memory_space<semaphore_mem>>
      tpu.enqueue_indirect_dma source(%dma_start3A_444 : memref<40x128xf32, #tpu.memory_space<vmem>>) target(%dma_start3A_450 : memref<10000x128xf32, #tpu.memory_space<vmem_shared>>) offsets(%dma_start3A_447 : memref<40xi32, #tpu.memory_space<vmem>>) semaphore(%dma_start3A_452 : memref<!tpu.dma_semaphore, #tpu.memory_space<semaphore_mem>>) {add = true}
      %mul3A_453 = arith.constant 6 : i32
      %mul3A_454 = arith.muli %scan3A_292, %mul3A_453 : i32
      %add3A_455 = arith.constant 5 : i32
      %add3A_456 = arith.addi %mul3A_454, %add3A_455 : i32
      %dma_wait3A_457 = arith.constant 5 : i32
      %dma_wait3A_458 = arith.constant 5 : i32
      %dma_wait3A_459 = arith.constant 0 : i32
      %dma_wait3A_460 = arith.constant 0 : i32
      %dma_wait3A_461 = tpu.memref_slice %arg10[%dma_wait3A_457, %dma_wait3A_459, %dma_wait3A_460] : memref<6x40x128xf32, #tpu.memory_space<vmem>> -> memref<1x40x128xf32, #tpu.memory_space<vmem>>
      %dma_wait3A_462 = tpu.memref_squeeze %dma_wait3A_461 : memref<1x40x128xf32, #tpu.memory_space<vmem>> -> memref<40x128xf32, #tpu.memory_space<vmem>>
      %dma_wait3A_463 = arith.constant 0 : i32
      %dma_wait3A_464 = tpu.memref_slice %arg8[%add3A_456, %dma_wait3A_463] : memref<250x40xi32, #tpu.memory_space<vmem>> -> memref<1x40xi32, #tpu.memory_space<vmem>>
      %dma_wait3A_465 = tpu.memref_squeeze %dma_wait3A_464 : memref<1x40xi32, #tpu.memory_space<vmem>> -> memref<40xi32, #tpu.memory_space<vmem>>
      %dma_wait3A_466 = arith.constant 0 : i32
      %dma_wait3A_467 = arith.constant 0 : i32
      %dma_wait3A_468 = tpu.memref_slice %arg2[%dma_wait3A_466, %dma_wait3A_467] : memref<10000x128xf32, #tpu.memory_space<hbm>> -> memref<10000x128xf32, #tpu.memory_space<hbm>>
      %dma_wait3A_469 = tpu.memref_slice %arg12[%dma_wait3A_458] : memref<6x!tpu.dma_semaphore, #tpu.memory_space<semaphore_mem>> -> memref<1x!tpu.dma_semaphore, #tpu.memory_space<semaphore_mem>>
      %dma_wait3A_470 = tpu.memref_squeeze %dma_wait3A_469 : memref<1x!tpu.dma_semaphore, #tpu.memory_space<semaphore_mem>> -> memref<!tpu.dma_semaphore, #tpu.memory_space<semaphore_mem>>
      tpu.wait_indirect_dma semaphore(%dma_wait3A_470 : memref<!tpu.dma_semaphore, #tpu.memory_space<semaphore_mem>>) src(%dma_wait3A_468 : memref<10000x128xf32, #tpu.memory_space<hbm>>) dst(%dma_wait3A_462 : memref<40x128xf32, #tpu.memory_space<vmem>>)
      %dma_start3A_471 = arith.constant 5 : i32
      %dma_start3A_472 = arith.constant 5 : i32
      %dma_start3A_473 = arith.constant 0 : i32
      %dma_start3A_474 = arith.constant 0 : i32
      %dma_start3A_475 = tpu.memref_slice %arg10[%dma_start3A_471, %dma_start3A_473, %dma_start3A_474] : memref<6x40x128xf32, #tpu.memory_space<vmem>> -> memref<1x40x128xf32, #tpu.memory_space<vmem>>
      %dma_start3A_476 = tpu.memref_squeeze %dma_start3A_475 : memref<1x40x128xf32, #tpu.memory_space<vmem>> -> memref<40x128xf32, #tpu.memory_space<vmem>>
      %dma_start3A_477 = arith.constant 0 : i32
      %dma_start3A_478 = tpu.memref_slice %arg9[%add3A_456, %dma_start3A_477] : memref<250x40xi32, #tpu.memory_space<vmem>> -> memref<1x40xi32, #tpu.memory_space<vmem>>
      %dma_start3A_479 = tpu.memref_squeeze %dma_start3A_478 : memref<1x40xi32, #tpu.memory_space<vmem>> -> memref<40xi32, #tpu.memory_space<vmem>>
      %dma_start3A_480 = arith.constant 0 : i32
      %dma_start3A_481 = arith.constant 0 : i32
      %dma_start3A_482 = tpu.memref_slice %arg11[%dma_start3A_480, %dma_start3A_481] : memref<10000x128xf32, #tpu.memory_space<vmem_shared>> -> memref<10000x128xf32, #tpu.memory_space<vmem_shared>>
      %dma_start3A_483 = tpu.memref_slice %arg13[%dma_start3A_472] : memref<6x!tpu.dma_semaphore, #tpu.memory_space<semaphore_mem>> -> memref<1x!tpu.dma_semaphore, #tpu.memory_space<semaphore_mem>>
      %dma_start3A_484 = tpu.memref_squeeze %dma_start3A_483 : memref<1x!tpu.dma_semaphore, #tpu.memory_space<semaphore_mem>> -> memref<!tpu.dma_semaphore, #tpu.memory_space<semaphore_mem>>
      tpu.enqueue_indirect_dma source(%dma_start3A_476 : memref<40x128xf32, #tpu.memory_space<vmem>>) target(%dma_start3A_482 : memref<10000x128xf32, #tpu.memory_space<vmem_shared>>) offsets(%dma_start3A_479 : memref<40xi32, #tpu.memory_space<vmem>>) semaphore(%dma_start3A_484 : memref<!tpu.dma_semaphore, #tpu.memory_space<semaphore_mem>>) {add = true}
      %mul3A_485 = arith.constant 6 : i32
      %mul3A_486 = arith.muli %scan3A_292, %mul3A_485 : i32
      %add3A_487 = arith.constant 0 : i32
      %add3A_488 = arith.addi %mul3A_486, %add3A_487 : i32
      %dma_wait3A_489 = arith.constant 0 : i32
      %dma_wait3A_490 = arith.constant 0 : i32
      %dma_wait3A_491 = arith.constant 0 : i32
      %dma_wait3A_492 = arith.constant 0 : i32
      %dma_wait3A_493 = tpu.memref_slice %arg10[%dma_wait3A_489, %dma_wait3A_491, %dma_wait3A_492] : memref<6x40x128xf32, #tpu.memory_space<vmem>> -> memref<1x40x128xf32, #tpu.memory_space<vmem>>
      %dma_wait3A_494 = tpu.memref_squeeze %dma_wait3A_493 : memref<1x40x128xf32, #tpu.memory_space<vmem>> -> memref<40x128xf32, #tpu.memory_space<vmem>>
      %dma_wait3A_495 = arith.constant 0 : i32
      %dma_wait3A_496 = tpu.memref_slice %arg9[%add3A_488, %dma_wait3A_495] : memref<250x40xi32, #tpu.memory_space<vmem>> -> memref<1x40xi32, #tpu.memory_space<vmem>>
      %dma_wait3A_497 = tpu.memref_squeeze %dma_wait3A_496 : memref<1x40xi32, #tpu.memory_space<vmem>> -> memref<40xi32, #tpu.memory_space<vmem>>
      %dma_wait3A_498 = arith.constant 0 : i32
      %dma_wait3A_499 = arith.constant 0 : i32
      %dma_wait3A_500 = tpu.memref_slice %arg11[%dma_wait3A_498, %dma_wait3A_499] : memref<10000x128xf32, #tpu.memory_space<vmem_shared>> -> memref<10000x128xf32, #tpu.memory_space<vmem_shared>>
      %dma_wait3A_501 = tpu.memref_slice %arg13[%dma_wait3A_490] : memref<6x!tpu.dma_semaphore, #tpu.memory_space<semaphore_mem>> -> memref<1x!tpu.dma_semaphore, #tpu.memory_space<semaphore_mem>>
      %dma_wait3A_502 = tpu.memref_squeeze %dma_wait3A_501 : memref<1x!tpu.dma_semaphore, #tpu.memory_space<semaphore_mem>> -> memref<!tpu.dma_semaphore, #tpu.memory_space<semaphore_mem>>
      tpu.wait_indirect_dma semaphore(%dma_wait3A_502 : memref<!tpu.dma_semaphore, #tpu.memory_space<semaphore_mem>>) src(%dma_wait3A_494 : memref<40x128xf32, #tpu.memory_space<vmem>>) dst(%dma_wait3A_500 : memref<10000x128xf32, #tpu.memory_space<vmem_shared>>)
      %add3A_503 = arith.constant 6 : i32
      %add3A_504 = arith.addi %add3A_488, %add3A_503 : i32
      %lt3A = arith.constant 250 : i32
      %lt3A_505 = arith.cmpi slt, %add3A_504, %lt3A : i32
      %convert_element_type3A_506 = arith.extui %lt3A_505 : i1 to i32
      %cond3A_507 = arith.constant 0 : i32
      %cond3A_508 = arith.cmpi ne, %convert_element_type3A_506, %cond3A_507 : i32
      scf.if %cond3A_508 {
        %add3A_634 = arith.constant 6 : i32
        %add3A_635 = arith.addi %add3A_488, %add3A_634 : i32
        %dma_start3A_636 = arith.constant 0 : i32
        %dma_start3A_637 = arith.constant 0 : i32
        %dma_start3A_638 = arith.constant 0 : i32
        %dma_start3A_639 = arith.constant 0 : i32
        %dma_start3A_640 = tpu.memref_slice %arg10[%dma_start3A_636, %dma_start3A_638, %dma_start3A_639] : memref<6x40x128xf32, #tpu.memory_space<vmem>> -> memref<1x40x128xf32, #tpu.memory_space<vmem>>
        %dma_start3A_641 = tpu.memref_squeeze %dma_start3A_640 : memref<1x40x128xf32, #tpu.memory_space<vmem>> -> memref<40x128xf32, #tpu.memory_space<vmem>>
        %dma_start3A_642 = arith.constant 0 : i32
        %dma_start3A_643 = tpu.memref_slice %arg8[%add3A_635, %dma_start3A_642] : memref<250x40xi32, #tpu.memory_space<vmem>> -> memref<1x40xi32, #tpu.memory_space<vmem>>
        %dma_start3A_644 = tpu.memref_squeeze %dma_start3A_643 : memref<1x40xi32, #tpu.memory_space<vmem>> -> memref<40xi32, #tpu.memory_space<vmem>>
        %dma_start3A_645 = arith.constant 0 : i32
        %dma_start3A_646 = arith.constant 0 : i32
        %dma_start3A_647 = tpu.memref_slice %arg2[%dma_start3A_645, %dma_start3A_646] : memref<10000x128xf32, #tpu.memory_space<hbm>> -> memref<10000x128xf32, #tpu.memory_space<hbm>>
        %dma_start3A_648 = tpu.memref_slice %arg12[%dma_start3A_637] : memref<6x!tpu.dma_semaphore, #tpu.memory_space<semaphore_mem>> -> memref<1x!tpu.dma_semaphore, #tpu.memory_space<semaphore_mem>>
        %dma_start3A_649 = tpu.memref_squeeze %dma_start3A_648 : memref<1x!tpu.dma_semaphore, #tpu.memory_space<semaphore_mem>> -> memref<!tpu.dma_semaphore, #tpu.memory_space<semaphore_mem>>
        tpu.enqueue_indirect_dma source(%dma_start3A_647 : memref<10000x128xf32, #tpu.memory_space<hbm>>) target(%dma_start3A_641 : memref<40x128xf32, #tpu.memory_space<vmem>>) offsets(%dma_start3A_644 : memref<40xi32, #tpu.memory_space<vmem>>) semaphore(%dma_start3A_649 : memref<!tpu.dma_semaphore, #tpu.memory_space<semaphore_mem>>)
      } else {
      }
      %mul3A_509 = arith.constant 6 : i32
      %mul3A_510 = arith.muli %scan3A_292, %mul3A_509 : i32
      %add3A_511 = arith.constant 1 : i32
      %add3A_512 = arith.addi %mul3A_510, %add3A_511 : i32
      %dma_wait3A_513 = arith.constant 1 : i32
      %dma_wait3A_514 = arith.constant 1 : i32
      %dma_wait3A_515 = arith.constant 0 : i32
      %dma_wait3A_516 = arith.constant 0 : i32
      %dma_wait3A_517 = tpu.memref_slice %arg10[%dma_wait3A_513, %dma_wait3A_515, %dma_wait3A_516] : memref<6x40x128xf32, #tpu.memory_space<vmem>> -> memref<1x40x128xf32, #tpu.memory_space<vmem>>
      %dma_wait3A_518 = tpu.memref_squeeze %dma_wait3A_517 : memref<1x40x128xf32, #tpu.memory_space<vmem>> -> memref<40x128xf32, #tpu.memory_space<vmem>>
      %dma_wait3A_519 = arith.constant 0 : i32
      %dma_wait3A_520 = tpu.memref_slice %arg9[%add3A_512, %dma_wait3A_519] : memref<250x40xi32, #tpu.memory_space<vmem>> -> memref<1x40xi32, #tpu.memory_space<vmem>>
      %dma_wait3A_521 = tpu.memref_squeeze %dma_wait3A_520 : memref<1x40xi32, #tpu.memory_space<vmem>> -> memref<40xi32, #tpu.memory_space<vmem>>
      %dma_wait3A_522 = arith.constant 0 : i32
      %dma_wait3A_523 = arith.constant 0 : i32
      %dma_wait3A_524 = tpu.memref_slice %arg11[%dma_wait3A_522, %dma_wait3A_523] : memref<10000x128xf32, #tpu.memory_space<vmem_shared>> -> memref<10000x128xf32, #tpu.memory_space<vmem_shared>>
      %dma_wait3A_525 = tpu.memref_slice %arg13[%dma_wait3A_514] : memref<6x!tpu.dma_semaphore, #tpu.memory_space<semaphore_mem>> -> memref<1x!tpu.dma_semaphore, #tpu.memory_space<semaphore_mem>>
      %dma_wait3A_526 = tpu.memref_squeeze %dma_wait3A_525 : memref<1x!tpu.dma_semaphore, #tpu.memory_space<semaphore_mem>> -> memref<!tpu.dma_semaphore, #tpu.memory_space<semaphore_mem>>
      tpu.wait_indirect_dma semaphore(%dma_wait3A_526 : memref<!tpu.dma_semaphore, #tpu.memory_space<semaphore_mem>>) src(%dma_wait3A_518 : memref<40x128xf32, #tpu.memory_space<vmem>>) dst(%dma_wait3A_524 : memref<10000x128xf32, #tpu.memory_space<vmem_shared>>)
      %add3A_527 = arith.constant 6 : i32
      %add3A_528 = arith.addi %add3A_512, %add3A_527 : i32
      %lt3A_529 = arith.constant 250 : i32
      %lt3A_530 = arith.cmpi slt, %add3A_528, %lt3A_529 : i32
      %convert_element_type3A_531 = arith.extui %lt3A_530 : i1 to i32
      %cond3A_532 = arith.constant 0 : i32
      %cond3A_533 = arith.cmpi ne, %convert_element_type3A_531, %cond3A_532 : i32
      scf.if %cond3A_533 {
        %add3A_634 = arith.constant 6 : i32
        %add3A_635 = arith.addi %add3A_512, %add3A_634 : i32
        %dma_start3A_636 = arith.constant 1 : i32
        %dma_start3A_637 = arith.constant 1 : i32
        %dma_start3A_638 = arith.constant 0 : i32
        %dma_start3A_639 = arith.constant 0 : i32
        %dma_start3A_640 = tpu.memref_slice %arg10[%dma_start3A_636, %dma_start3A_638, %dma_start3A_639] : memref<6x40x128xf32, #tpu.memory_space<vmem>> -> memref<1x40x128xf32, #tpu.memory_space<vmem>>
        %dma_start3A_641 = tpu.memref_squeeze %dma_start3A_640 : memref<1x40x128xf32, #tpu.memory_space<vmem>> -> memref<40x128xf32, #tpu.memory_space<vmem>>
        %dma_start3A_642 = arith.constant 0 : i32
        %dma_start3A_643 = tpu.memref_slice %arg8[%add3A_635, %dma_start3A_642] : memref<250x40xi32, #tpu.memory_space<vmem>> -> memref<1x40xi32, #tpu.memory_space<vmem>>
        %dma_start3A_644 = tpu.memref_squeeze %dma_start3A_643 : memref<1x40xi32, #tpu.memory_space<vmem>> -> memref<40xi32, #tpu.memory_space<vmem>>
        %dma_start3A_645 = arith.constant 0 : i32
        %dma_start3A_646 = arith.constant 0 : i32
        %dma_start3A_647 = tpu.memref_slice %arg2[%dma_start3A_645, %dma_start3A_646] : memref<10000x128xf32, #tpu.memory_space<hbm>> -> memref<10000x128xf32, #tpu.memory_space<hbm>>
        %dma_start3A_648 = tpu.memref_slice %arg12[%dma_start3A_637] : memref<6x!tpu.dma_semaphore, #tpu.memory_space<semaphore_mem>> -> memref<1x!tpu.dma_semaphore, #tpu.memory_space<semaphore_mem>>
        %dma_start3A_649 = tpu.memref_squeeze %dma_start3A_648 : memref<1x!tpu.dma_semaphore, #tpu.memory_space<semaphore_mem>> -> memref<!tpu.dma_semaphore, #tpu.memory_space<semaphore_mem>>
        tpu.enqueue_indirect_dma source(%dma_start3A_647 : memref<10000x128xf32, #tpu.memory_space<hbm>>) target(%dma_start3A_641 : memref<40x128xf32, #tpu.memory_space<vmem>>) offsets(%dma_start3A_644 : memref<40xi32, #tpu.memory_space<vmem>>) semaphore(%dma_start3A_649 : memref<!tpu.dma_semaphore, #tpu.memory_space<semaphore_mem>>)
      } else {
      }
      %mul3A_534 = arith.constant 6 : i32
      %mul3A_535 = arith.muli %scan3A_292, %mul3A_534 : i32
      %add3A_536 = arith.constant 2 : i32
      %add3A_537 = arith.addi %mul3A_535, %add3A_536 : i32
      %dma_wait3A_538 = arith.constant 2 : i32
      %dma_wait3A_539 = arith.constant 2 : i32
      %dma_wait3A_540 = arith.constant 0 : i32
      %dma_wait3A_541 = arith.constant 0 : i32
      %dma_wait3A_542 = tpu.memref_slice %arg10[%dma_wait3A_538, %dma_wait3A_540, %dma_wait3A_541] : memref<6x40x128xf32, #tpu.memory_space<vmem>> -> memref<1x40x128xf32, #tpu.memory_space<vmem>>
      %dma_wait3A_543 = tpu.memref_squeeze %dma_wait3A_542 : memref<1x40x128xf32, #tpu.memory_space<vmem>> -> memref<40x128xf32, #tpu.memory_space<vmem>>
      %dma_wait3A_544 = arith.constant 0 : i32
      %dma_wait3A_545 = tpu.memref_slice %arg9[%add3A_537, %dma_wait3A_544] : memref<250x40xi32, #tpu.memory_space<vmem>> -> memref<1x40xi32, #tpu.memory_space<vmem>>
      %dma_wait3A_546 = tpu.memref_squeeze %dma_wait3A_545 : memref<1x40xi32, #tpu.memory_space<vmem>> -> memref<40xi32, #tpu.memory_space<vmem>>
      %dma_wait3A_547 = arith.constant 0 : i32
      %dma_wait3A_548 = arith.constant 0 : i32
      %dma_wait3A_549 = tpu.memref_slice %arg11[%dma_wait3A_547, %dma_wait3A_548] : memref<10000x128xf32, #tpu.memory_space<vmem_shared>> -> memref<10000x128xf32, #tpu.memory_space<vmem_shared>>
      %dma_wait3A_550 = tpu.memref_slice %arg13[%dma_wait3A_539] : memref<6x!tpu.dma_semaphore, #tpu.memory_space<semaphore_mem>> -> memref<1x!tpu.dma_semaphore, #tpu.memory_space<semaphore_mem>>
      %dma_wait3A_551 = tpu.memref_squeeze %dma_wait3A_550 : memref<1x!tpu.dma_semaphore, #tpu.memory_space<semaphore_mem>> -> memref<!tpu.dma_semaphore, #tpu.memory_space<semaphore_mem>>
      tpu.wait_indirect_dma semaphore(%dma_wait3A_551 : memref<!tpu.dma_semaphore, #tpu.memory_space<semaphore_mem>>) src(%dma_wait3A_543 : memref<40x128xf32, #tpu.memory_space<vmem>>) dst(%dma_wait3A_549 : memref<10000x128xf32, #tpu.memory_space<vmem_shared>>)
      %add3A_552 = arith.constant 6 : i32
      %add3A_553 = arith.addi %add3A_537, %add3A_552 : i32
      %lt3A_554 = arith.constant 250 : i32
      %lt3A_555 = arith.cmpi slt, %add3A_553, %lt3A_554 : i32
      %convert_element_type3A_556 = arith.extui %lt3A_555 : i1 to i32
      %cond3A_557 = arith.constant 0 : i32
      %cond3A_558 = arith.cmpi ne, %convert_element_type3A_556, %cond3A_557 : i32
      scf.if %cond3A_558 {
        %add3A_634 = arith.constant 6 : i32
        %add3A_635 = arith.addi %add3A_537, %add3A_634 : i32
        %dma_start3A_636 = arith.constant 2 : i32
        %dma_start3A_637 = arith.constant 2 : i32
        %dma_start3A_638 = arith.constant 0 : i32
        %dma_start3A_639 = arith.constant 0 : i32
        %dma_start3A_640 = tpu.memref_slice %arg10[%dma_start3A_636, %dma_start3A_638, %dma_start3A_639] : memref<6x40x128xf32, #tpu.memory_space<vmem>> -> memref<1x40x128xf32, #tpu.memory_space<vmem>>
        %dma_start3A_641 = tpu.memref_squeeze %dma_start3A_640 : memref<1x40x128xf32, #tpu.memory_space<vmem>> -> memref<40x128xf32, #tpu.memory_space<vmem>>
        %dma_start3A_642 = arith.constant 0 : i32
        %dma_start3A_643 = tpu.memref_slice %arg8[%add3A_635, %dma_start3A_642] : memref<250x40xi32, #tpu.memory_space<vmem>> -> memref<1x40xi32, #tpu.memory_space<vmem>>
        %dma_start3A_644 = tpu.memref_squeeze %dma_start3A_643 : memref<1x40xi32, #tpu.memory_space<vmem>> -> memref<40xi32, #tpu.memory_space<vmem>>
        %dma_start3A_645 = arith.constant 0 : i32
        %dma_start3A_646 = arith.constant 0 : i32
        %dma_start3A_647 = tpu.memref_slice %arg2[%dma_start3A_645, %dma_start3A_646] : memref<10000x128xf32, #tpu.memory_space<hbm>> -> memref<10000x128xf32, #tpu.memory_space<hbm>>
        %dma_start3A_648 = tpu.memref_slice %arg12[%dma_start3A_637] : memref<6x!tpu.dma_semaphore, #tpu.memory_space<semaphore_mem>> -> memref<1x!tpu.dma_semaphore, #tpu.memory_space<semaphore_mem>>
        %dma_start3A_649 = tpu.memref_squeeze %dma_start3A_648 : memref<1x!tpu.dma_semaphore, #tpu.memory_space<semaphore_mem>> -> memref<!tpu.dma_semaphore, #tpu.memory_space<semaphore_mem>>
        tpu.enqueue_indirect_dma source(%dma_start3A_647 : memref<10000x128xf32, #tpu.memory_space<hbm>>) target(%dma_start3A_641 : memref<40x128xf32, #tpu.memory_space<vmem>>) offsets(%dma_start3A_644 : memref<40xi32, #tpu.memory_space<vmem>>) semaphore(%dma_start3A_649 : memref<!tpu.dma_semaphore, #tpu.memory_space<semaphore_mem>>)
      } else {
      }
      %mul3A_559 = arith.constant 6 : i32
      %mul3A_560 = arith.muli %scan3A_292, %mul3A_559 : i32
      %add3A_561 = arith.constant 3 : i32
      %add3A_562 = arith.addi %mul3A_560, %add3A_561 : i32
      %dma_wait3A_563 = arith.constant 3 : i32
      %dma_wait3A_564 = arith.constant 3 : i32
      %dma_wait3A_565 = arith.constant 0 : i32
      %dma_wait3A_566 = arith.constant 0 : i32
      %dma_wait3A_567 = tpu.memref_slice %arg10[%dma_wait3A_563, %dma_wait3A_565, %dma_wait3A_566] : memref<6x40x128xf32, #tpu.memory_space<vmem>> -> memref<1x40x128xf32, #tpu.memory_space<vmem>>
      %dma_wait3A_568 = tpu.memref_squeeze %dma_wait3A_567 : memref<1x40x128xf32, #tpu.memory_space<vmem>> -> memref<40x128xf32, #tpu.memory_space<vmem>>
      %dma_wait3A_569 = arith.constant 0 : i32
      %dma_wait3A_570 = tpu.memref_slice %arg9[%add3A_562, %dma_wait3A_569] : memref<250x40xi32, #tpu.memory_space<vmem>> -> memref<1x40xi32, #tpu.memory_space<vmem>>
      %dma_wait3A_571 = tpu.memref_squeeze %dma_wait3A_570 : memref<1x40xi32, #tpu.memory_space<vmem>> -> memref<40xi32, #tpu.memory_space<vmem>>
      %dma_wait3A_572 = arith.constant 0 : i32
      %dma_wait3A_573 = arith.constant 0 : i32
      %dma_wait3A_574 = tpu.memref_slice %arg11[%dma_wait3A_572, %dma_wait3A_573] : memref<10000x128xf32, #tpu.memory_space<vmem_shared>> -> memref<10000x128xf32, #tpu.memory_space<vmem_shared>>
      %dma_wait3A_575 = tpu.memref_slice %arg13[%dma_wait3A_564] : memref<6x!tpu.dma_semaphore, #tpu.memory_space<semaphore_mem>> -> memref<1x!tpu.dma_semaphore, #tpu.memory_space<semaphore_mem>>
      %dma_wait3A_576 = tpu.memref_squeeze %dma_wait3A_575 : memref<1x!tpu.dma_semaphore, #tpu.memory_space<semaphore_mem>> -> memref<!tpu.dma_semaphore, #tpu.memory_space<semaphore_mem>>
      tpu.wait_indirect_dma semaphore(%dma_wait3A_576 : memref<!tpu.dma_semaphore, #tpu.memory_space<semaphore_mem>>) src(%dma_wait3A_568 : memref<40x128xf32, #tpu.memory_space<vmem>>) dst(%dma_wait3A_574 : memref<10000x128xf32, #tpu.memory_space<vmem_shared>>)
      %add3A_577 = arith.constant 6 : i32
      %add3A_578 = arith.addi %add3A_562, %add3A_577 : i32
      %lt3A_579 = arith.constant 250 : i32
      %lt3A_580 = arith.cmpi slt, %add3A_578, %lt3A_579 : i32
      %convert_element_type3A_581 = arith.extui %lt3A_580 : i1 to i32
      %cond3A_582 = arith.constant 0 : i32
      %cond3A_583 = arith.cmpi ne, %convert_element_type3A_581, %cond3A_582 : i32
      scf.if %cond3A_583 {
        %add3A_634 = arith.constant 6 : i32
        %add3A_635 = arith.addi %add3A_562, %add3A_634 : i32
        %dma_start3A_636 = arith.constant 3 : i32
        %dma_start3A_637 = arith.constant 3 : i32
        %dma_start3A_638 = arith.constant 0 : i32
        %dma_start3A_639 = arith.constant 0 : i32
        %dma_start3A_640 = tpu.memref_slice %arg10[%dma_start3A_636, %dma_start3A_638, %dma_start3A_639] : memref<6x40x128xf32, #tpu.memory_space<vmem>> -> memref<1x40x128xf32, #tpu.memory_space<vmem>>
        %dma_start3A_641 = tpu.memref_squeeze %dma_start3A_640 : memref<1x40x128xf32, #tpu.memory_space<vmem>> -> memref<40x128xf32, #tpu.memory_space<vmem>>
        %dma_start3A_642 = arith.constant 0 : i32
        %dma_start3A_643 = tpu.memref_slice %arg8[%add3A_635, %dma_start3A_642] : memref<250x40xi32, #tpu.memory_space<vmem>> -> memref<1x40xi32, #tpu.memory_space<vmem>>
        %dma_start3A_644 = tpu.memref_squeeze %dma_start3A_643 : memref<1x40xi32, #tpu.memory_space<vmem>> -> memref<40xi32, #tpu.memory_space<vmem>>
        %dma_start3A_645 = arith.constant 0 : i32
        %dma_start3A_646 = arith.constant 0 : i32
        %dma_start3A_647 = tpu.memref_slice %arg2[%dma_start3A_645, %dma_start3A_646] : memref<10000x128xf32, #tpu.memory_space<hbm>> -> memref<10000x128xf32, #tpu.memory_space<hbm>>
        %dma_start3A_648 = tpu.memref_slice %arg12[%dma_start3A_637] : memref<6x!tpu.dma_semaphore, #tpu.memory_space<semaphore_mem>> -> memref<1x!tpu.dma_semaphore, #tpu.memory_space<semaphore_mem>>
        %dma_start3A_649 = tpu.memref_squeeze %dma_start3A_648 : memref<1x!tpu.dma_semaphore, #tpu.memory_space<semaphore_mem>> -> memref<!tpu.dma_semaphore, #tpu.memory_space<semaphore_mem>>
        tpu.enqueue_indirect_dma source(%dma_start3A_647 : memref<10000x128xf32, #tpu.memory_space<hbm>>) target(%dma_start3A_641 : memref<40x128xf32, #tpu.memory_space<vmem>>) offsets(%dma_start3A_644 : memref<40xi32, #tpu.memory_space<vmem>>) semaphore(%dma_start3A_649 : memref<!tpu.dma_semaphore, #tpu.memory_space<semaphore_mem>>)
      } else {
      }
      %mul3A_584 = arith.constant 6 : i32
      %mul3A_585 = arith.muli %scan3A_292, %mul3A_584 : i32
      %add3A_586 = arith.constant 4 : i32
      %add3A_587 = arith.addi %mul3A_585, %add3A_586 : i32
      %dma_wait3A_588 = arith.constant 4 : i32
      %dma_wait3A_589 = arith.constant 4 : i32
      %dma_wait3A_590 = arith.constant 0 : i32
      %dma_wait3A_591 = arith.constant 0 : i32
      %dma_wait3A_592 = tpu.memref_slice %arg10[%dma_wait3A_588, %dma_wait3A_590, %dma_wait3A_591] : memref<6x40x128xf32, #tpu.memory_space<vmem>> -> memref<1x40x128xf32, #tpu.memory_space<vmem>>
      %dma_wait3A_593 = tpu.memref_squeeze %dma_wait3A_592 : memref<1x40x128xf32, #tpu.memory_space<vmem>> -> memref<40x128xf32, #tpu.memory_space<vmem>>
      %dma_wait3A_594 = arith.constant 0 : i32
      %dma_wait3A_595 = tpu.memref_slice %arg9[%add3A_587, %dma_wait3A_594] : memref<250x40xi32, #tpu.memory_space<vmem>> -> memref<1x40xi32, #tpu.memory_space<vmem>>
      %dma_wait3A_596 = tpu.memref_squeeze %dma_wait3A_595 : memref<1x40xi32, #tpu.memory_space<vmem>> -> memref<40xi32, #tpu.memory_space<vmem>>
      %dma_wait3A_597 = arith.constant 0 : i32
      %dma_wait3A_598 = arith.constant 0 : i32
      %dma_wait3A_599 = tpu.memref_slice %arg11[%dma_wait3A_597, %dma_wait3A_598] : memref<10000x128xf32, #tpu.memory_space<vmem_shared>> -> memref<10000x128xf32, #tpu.memory_space<vmem_shared>>
      %dma_wait3A_600 = tpu.memref_slice %arg13[%dma_wait3A_589] : memref<6x!tpu.dma_semaphore, #tpu.memory_space<semaphore_mem>> -> memref<1x!tpu.dma_semaphore, #tpu.memory_space<semaphore_mem>>
      %dma_wait3A_601 = tpu.memref_squeeze %dma_wait3A_600 : memref<1x!tpu.dma_semaphore, #tpu.memory_space<semaphore_mem>> -> memref<!tpu.dma_semaphore, #tpu.memory_space<semaphore_mem>>
      tpu.wait_indirect_dma semaphore(%dma_wait3A_601 : memref<!tpu.dma_semaphore, #tpu.memory_space<semaphore_mem>>) src(%dma_wait3A_593 : memref<40x128xf32, #tpu.memory_space<vmem>>) dst(%dma_wait3A_599 : memref<10000x128xf32, #tpu.memory_space<vmem_shared>>)
      %add3A_602 = arith.constant 6 : i32
      %add3A_603 = arith.addi %add3A_587, %add3A_602 : i32
      %lt3A_604 = arith.constant 250 : i32
      %lt3A_605 = arith.cmpi slt, %add3A_603, %lt3A_604 : i32
      %convert_element_type3A_606 = arith.extui %lt3A_605 : i1 to i32
      %cond3A_607 = arith.constant 0 : i32
      %cond3A_608 = arith.cmpi ne, %convert_element_type3A_606, %cond3A_607 : i32
      scf.if %cond3A_608 {
        %add3A_634 = arith.constant 6 : i32
        %add3A_635 = arith.addi %add3A_587, %add3A_634 : i32
        %dma_start3A_636 = arith.constant 4 : i32
        %dma_start3A_637 = arith.constant 4 : i32
        %dma_start3A_638 = arith.constant 0 : i32
        %dma_start3A_639 = arith.constant 0 : i32
        %dma_start3A_640 = tpu.memref_slice %arg10[%dma_start3A_636, %dma_start3A_638, %dma_start3A_639] : memref<6x40x128xf32, #tpu.memory_space<vmem>> -> memref<1x40x128xf32, #tpu.memory_space<vmem>>
        %dma_start3A_641 = tpu.memref_squeeze %dma_start3A_640 : memref<1x40x128xf32, #tpu.memory_space<vmem>> -> memref<40x128xf32, #tpu.memory_space<vmem>>
        %dma_start3A_642 = arith.constant 0 : i32
        %dma_start3A_643 = tpu.memref_slice %arg8[%add3A_635, %dma_start3A_642] : memref<250x40xi32, #tpu.memory_space<vmem>> -> memref<1x40xi32, #tpu.memory_space<vmem>>
        %dma_start3A_644 = tpu.memref_squeeze %dma_start3A_643 : memref<1x40xi32, #tpu.memory_space<vmem>> -> memref<40xi32, #tpu.memory_space<vmem>>
        %dma_start3A_645 = arith.constant 0 : i32
        %dma_start3A_646 = arith.constant 0 : i32
        %dma_start3A_647 = tpu.memref_slice %arg2[%dma_start3A_645, %dma_start3A_646] : memref<10000x128xf32, #tpu.memory_space<hbm>> -> memref<10000x128xf32, #tpu.memory_space<hbm>>
        %dma_start3A_648 = tpu.memref_slice %arg12[%dma_start3A_637] : memref<6x!tpu.dma_semaphore, #tpu.memory_space<semaphore_mem>> -> memref<1x!tpu.dma_semaphore, #tpu.memory_space<semaphore_mem>>
        %dma_start3A_649 = tpu.memref_squeeze %dma_start3A_648 : memref<1x!tpu.dma_semaphore, #tpu.memory_space<semaphore_mem>> -> memref<!tpu.dma_semaphore, #tpu.memory_space<semaphore_mem>>
        tpu.enqueue_indirect_dma source(%dma_start3A_647 : memref<10000x128xf32, #tpu.memory_space<hbm>>) target(%dma_start3A_641 : memref<40x128xf32, #tpu.memory_space<vmem>>) offsets(%dma_start3A_644 : memref<40xi32, #tpu.memory_space<vmem>>) semaphore(%dma_start3A_649 : memref<!tpu.dma_semaphore, #tpu.memory_space<semaphore_mem>>)
      } else {
      }
      %mul3A_609 = arith.constant 6 : i32
      %mul3A_610 = arith.muli %scan3A_292, %mul3A_609 : i32
      %add3A_611 = arith.constant 5 : i32
      %add3A_612 = arith.addi %mul3A_610, %add3A_611 : i32
      %dma_wait3A_613 = arith.constant 5 : i32
      %dma_wait3A_614 = arith.constant 5 : i32
      %dma_wait3A_615 = arith.constant 0 : i32
      %dma_wait3A_616 = arith.constant 0 : i32
      %dma_wait3A_617 = tpu.memref_slice %arg10[%dma_wait3A_613, %dma_wait3A_615, %dma_wait3A_616] : memref<6x40x128xf32, #tpu.memory_space<vmem>> -> memref<1x40x128xf32, #tpu.memory_space<vmem>>
      %dma_wait3A_618 = tpu.memref_squeeze %dma_wait3A_617 : memref<1x40x128xf32, #tpu.memory_space<vmem>> -> memref<40x128xf32, #tpu.memory_space<vmem>>
      %dma_wait3A_619 = arith.constant 0 : i32
      %dma_wait3A_620 = tpu.memref_slice %arg9[%add3A_612, %dma_wait3A_619] : memref<250x40xi32, #tpu.memory_space<vmem>> -> memref<1x40xi32, #tpu.memory_space<vmem>>
      %dma_wait3A_621 = tpu.memref_squeeze %dma_wait3A_620 : memref<1x40xi32, #tpu.memory_space<vmem>> -> memref<40xi32, #tpu.memory_space<vmem>>
      %dma_wait3A_622 = arith.constant 0 : i32
      %dma_wait3A_623 = arith.constant 0 : i32
      %dma_wait3A_624 = tpu.memref_slice %arg11[%dma_wait3A_622, %dma_wait3A_623] : memref<10000x128xf32, #tpu.memory_space<vmem_shared>> -> memref<10000x128xf32, #tpu.memory_space<vmem_shared>>
      %dma_wait3A_625 = tpu.memref_slice %arg13[%dma_wait3A_614] : memref<6x!tpu.dma_semaphore, #tpu.memory_space<semaphore_mem>> -> memref<1x!tpu.dma_semaphore, #tpu.memory_space<semaphore_mem>>
      %dma_wait3A_626 = tpu.memref_squeeze %dma_wait3A_625 : memref<1x!tpu.dma_semaphore, #tpu.memory_space<semaphore_mem>> -> memref<!tpu.dma_semaphore, #tpu.memory_space<semaphore_mem>>
      tpu.wait_indirect_dma semaphore(%dma_wait3A_626 : memref<!tpu.dma_semaphore, #tpu.memory_space<semaphore_mem>>) src(%dma_wait3A_618 : memref<40x128xf32, #tpu.memory_space<vmem>>) dst(%dma_wait3A_624 : memref<10000x128xf32, #tpu.memory_space<vmem_shared>>)
      %add3A_627 = arith.constant 6 : i32
      %add3A_628 = arith.addi %add3A_612, %add3A_627 : i32
      %lt3A_629 = arith.constant 250 : i32
      %lt3A_630 = arith.cmpi slt, %add3A_628, %lt3A_629 : i32
      %convert_element_type3A_631 = arith.extui %lt3A_630 : i1 to i32
      %cond3A_632 = arith.constant 0 : i32
      %cond3A_633 = arith.cmpi ne, %convert_element_type3A_631, %cond3A_632 : i32
      scf.if %cond3A_633 {
        %add3A_634 = arith.constant 6 : i32
        %add3A_635 = arith.addi %add3A_612, %add3A_634 : i32
        %dma_start3A_636 = arith.constant 5 : i32
        %dma_start3A_637 = arith.constant 5 : i32
        %dma_start3A_638 = arith.constant 0 : i32
        %dma_start3A_639 = arith.constant 0 : i32
        %dma_start3A_640 = tpu.memref_slice %arg10[%dma_start3A_636, %dma_start3A_638, %dma_start3A_639] : memref<6x40x128xf32, #tpu.memory_space<vmem>> -> memref<1x40x128xf32, #tpu.memory_space<vmem>>
        %dma_start3A_641 = tpu.memref_squeeze %dma_start3A_640 : memref<1x40x128xf32, #tpu.memory_space<vmem>> -> memref<40x128xf32, #tpu.memory_space<vmem>>
        %dma_start3A_642 = arith.constant 0 : i32
        %dma_start3A_643 = tpu.memref_slice %arg8[%add3A_635, %dma_start3A_642] : memref<250x40xi32, #tpu.memory_space<vmem>> -> memref<1x40xi32, #tpu.memory_space<vmem>>
        %dma_start3A_644 = tpu.memref_squeeze %dma_start3A_643 : memref<1x40xi32, #tpu.memory_space<vmem>> -> memref<40xi32, #tpu.memory_space<vmem>>
        %dma_start3A_645 = arith.constant 0 : i32
        %dma_start3A_646 = arith.constant 0 : i32
        %dma_start3A_647 = tpu.memref_slice %arg2[%dma_start3A_645, %dma_start3A_646] : memref<10000x128xf32, #tpu.memory_space<hbm>> -> memref<10000x128xf32, #tpu.memory_space<hbm>>
        %dma_start3A_648 = tpu.memref_slice %arg12[%dma_start3A_637] : memref<6x!tpu.dma_semaphore, #tpu.memory_space<semaphore_mem>> -> memref<1x!tpu.dma_semaphore, #tpu.memory_space<semaphore_mem>>
        %dma_start3A_649 = tpu.memref_squeeze %dma_start3A_648 : memref<1x!tpu.dma_semaphore, #tpu.memory_space<semaphore_mem>> -> memref<!tpu.dma_semaphore, #tpu.memory_space<semaphore_mem>>
        tpu.enqueue_indirect_dma source(%dma_start3A_647 : memref<10000x128xf32, #tpu.memory_space<hbm>>) target(%dma_start3A_641 : memref<40x128xf32, #tpu.memory_space<vmem>>) offsets(%dma_start3A_644 : memref<40xi32, #tpu.memory_space<vmem>>) semaphore(%dma_start3A_649 : memref<!tpu.dma_semaphore, #tpu.memory_space<semaphore_mem>>)
      } else {
      }
    }
    %scan3A_101 = arith.constant 41 : i32
    %dma_wait3A = arith.constant 246 : i32
    %dma_wait3A_102 = arith.constant 0 : i32
    %dma_wait3A_103 = arith.constant 0 : i32
    %dma_wait3A_104 = arith.constant 0 : i32
    %dma_wait3A_105 = arith.constant 0 : i32
    %dma_wait3A_106 = tpu.memref_slice %arg10[%dma_wait3A_102, %dma_wait3A_104, %dma_wait3A_105] : memref<6x40x128xf32, #tpu.memory_space<vmem>> -> memref<1x40x128xf32, #tpu.memory_space<vmem>>
    %dma_wait3A_107 = tpu.memref_squeeze %dma_wait3A_106 : memref<1x40x128xf32, #tpu.memory_space<vmem>> -> memref<40x128xf32, #tpu.memory_space<vmem>>
    %dma_wait3A_108 = arith.constant 0 : i32
    %dma_wait3A_109 = tpu.memref_slice %arg8[%dma_wait3A, %dma_wait3A_108] : memref<250x40xi32, #tpu.memory_space<vmem>> -> memref<1x40xi32, #tpu.memory_space<vmem>>
    %dma_wait3A_110 = tpu.memref_squeeze %dma_wait3A_109 : memref<1x40xi32, #tpu.memory_space<vmem>> -> memref<40xi32, #tpu.memory_space<vmem>>
    %dma_wait3A_111 = arith.constant 0 : i32
    %dma_wait3A_112 = arith.constant 0 : i32
    %dma_wait3A_113 = tpu.memref_slice %arg2[%dma_wait3A_111, %dma_wait3A_112] : memref<10000x128xf32, #tpu.memory_space<hbm>> -> memref<10000x128xf32, #tpu.memory_space<hbm>>
    %dma_wait3A_114 = tpu.memref_slice %arg12[%dma_wait3A_103] : memref<6x!tpu.dma_semaphore, #tpu.memory_space<semaphore_mem>> -> memref<1x!tpu.dma_semaphore, #tpu.memory_space<semaphore_mem>>
    %dma_wait3A_115 = tpu.memref_squeeze %dma_wait3A_114 : memref<1x!tpu.dma_semaphore, #tpu.memory_space<semaphore_mem>> -> memref<!tpu.dma_semaphore, #tpu.memory_space<semaphore_mem>>
    tpu.wait_indirect_dma semaphore(%dma_wait3A_115 : memref<!tpu.dma_semaphore, #tpu.memory_space<semaphore_mem>>) src(%dma_wait3A_113 : memref<10000x128xf32, #tpu.memory_space<hbm>>) dst(%dma_wait3A_107 : memref<40x128xf32, #tpu.memory_space<vmem>>)
    %dma_start3A_116 = arith.constant 0 : i32
    %dma_start3A_117 = arith.constant 246 : i32
    %dma_start3A_118 = arith.constant 0 : i32
    %dma_start3A_119 = arith.constant 0 : i32
    %dma_start3A_120 = arith.constant 0 : i32
    %dma_start3A_121 = tpu.memref_slice %arg10[%dma_start3A_116, %dma_start3A_119, %dma_start3A_120] : memref<6x40x128xf32, #tpu.memory_space<vmem>> -> memref<1x40x128xf32, #tpu.memory_space<vmem>>
    %dma_start3A_122 = tpu.memref_squeeze %dma_start3A_121 : memref<1x40x128xf32, #tpu.memory_space<vmem>> -> memref<40x128xf32, #tpu.memory_space<vmem>>
    %dma_start3A_123 = arith.constant 0 : i32
    %dma_start3A_124 = tpu.memref_slice %arg9[%dma_start3A_117, %dma_start3A_123] : memref<250x40xi32, #tpu.memory_space<vmem>> -> memref<1x40xi32, #tpu.memory_space<vmem>>
    %dma_start3A_125 = tpu.memref_squeeze %dma_start3A_124 : memref<1x40xi32, #tpu.memory_space<vmem>> -> memref<40xi32, #tpu.memory_space<vmem>>
    %dma_start3A_126 = arith.constant 0 : i32
    %dma_start3A_127 = arith.constant 0 : i32
    %dma_start3A_128 = tpu.memref_slice %arg11[%dma_start3A_126, %dma_start3A_127] : memref<10000x128xf32, #tpu.memory_space<vmem_shared>> -> memref<10000x128xf32, #tpu.memory_space<vmem_shared>>
    %dma_start3A_129 = tpu.memref_slice %arg13[%dma_start3A_118] : memref<6x!tpu.dma_semaphore, #tpu.memory_space<semaphore_mem>> -> memref<1x!tpu.dma_semaphore, #tpu.memory_space<semaphore_mem>>
    %dma_start3A_130 = tpu.memref_squeeze %dma_start3A_129 : memref<1x!tpu.dma_semaphore, #tpu.memory_space<semaphore_mem>> -> memref<!tpu.dma_semaphore, #tpu.memory_space<semaphore_mem>>
    tpu.enqueue_indirect_dma source(%dma_start3A_122 : memref<40x128xf32, #tpu.memory_space<vmem>>) target(%dma_start3A_128 : memref<10000x128xf32, #tpu.memory_space<vmem_shared>>) offsets(%dma_start3A_125 : memref<40xi32, #tpu.memory_space<vmem>>) semaphore(%dma_start3A_130 : memref<!tpu.dma_semaphore, #tpu.memory_space<semaphore_mem>>) {add = true}
    %dma_wait3A_131 = arith.constant 247 : i32
    %dma_wait3A_132 = arith.constant 1 : i32
    %dma_wait3A_133 = arith.constant 1 : i32
    %dma_wait3A_134 = arith.constant 0 : i32
    %dma_wait3A_135 = arith.constant 0 : i32
    %dma_wait3A_136 = tpu.memref_slice %arg10[%dma_wait3A_132, %dma_wait3A_134, %dma_wait3A_135] : memref<6x40x128xf32, #tpu.memory_space<vmem>> -> memref<1x40x128xf32, #tpu.memory_space<vmem>>
    %dma_wait3A_137 = tpu.memref_squeeze %dma_wait3A_136 : memref<1x40x128xf32, #tpu.memory_space<vmem>> -> memref<40x128xf32, #tpu.memory_space<vmem>>
    %dma_wait3A_138 = arith.constant 0 : i32
    %dma_wait3A_139 = tpu.memref_slice %arg8[%dma_wait3A_131, %dma_wait3A_138] : memref<250x40xi32, #tpu.memory_space<vmem>> -> memref<1x40xi32, #tpu.memory_space<vmem>>
    %dma_wait3A_140 = tpu.memref_squeeze %dma_wait3A_139 : memref<1x40xi32, #tpu.memory_space<vmem>> -> memref<40xi32, #tpu.memory_space<vmem>>
    %dma_wait3A_141 = arith.constant 0 : i32
    %dma_wait3A_142 = arith.constant 0 : i32
    %dma_wait3A_143 = tpu.memref_slice %arg2[%dma_wait3A_141, %dma_wait3A_142] : memref<10000x128xf32, #tpu.memory_space<hbm>> -> memref<10000x128xf32, #tpu.memory_space<hbm>>
    %dma_wait3A_144 = tpu.memref_slice %arg12[%dma_wait3A_133] : memref<6x!tpu.dma_semaphore, #tpu.memory_space<semaphore_mem>> -> memref<1x!tpu.dma_semaphore, #tpu.memory_space<semaphore_mem>>
    %dma_wait3A_145 = tpu.memref_squeeze %dma_wait3A_144 : memref<1x!tpu.dma_semaphore, #tpu.memory_space<semaphore_mem>> -> memref<!tpu.dma_semaphore, #tpu.memory_space<semaphore_mem>>
    tpu.wait_indirect_dma semaphore(%dma_wait3A_145 : memref<!tpu.dma_semaphore, #tpu.memory_space<semaphore_mem>>) src(%dma_wait3A_143 : memref<10000x128xf32, #tpu.memory_space<hbm>>) dst(%dma_wait3A_137 : memref<40x128xf32, #tpu.memory_space<vmem>>)
    %dma_start3A_146 = arith.constant 1 : i32
    %dma_start3A_147 = arith.constant 247 : i32
    %dma_start3A_148 = arith.constant 1 : i32
    %dma_start3A_149 = arith.constant 0 : i32
    %dma_start3A_150 = arith.constant 0 : i32
    %dma_start3A_151 = tpu.memref_slice %arg10[%dma_start3A_146, %dma_start3A_149, %dma_start3A_150] : memref<6x40x128xf32, #tpu.memory_space<vmem>> -> memref<1x40x128xf32, #tpu.memory_space<vmem>>
    %dma_start3A_152 = tpu.memref_squeeze %dma_start3A_151 : memref<1x40x128xf32, #tpu.memory_space<vmem>> -> memref<40x128xf32, #tpu.memory_space<vmem>>
    %dma_start3A_153 = arith.constant 0 : i32
    %dma_start3A_154 = tpu.memref_slice %arg9[%dma_start3A_147, %dma_start3A_153] : memref<250x40xi32, #tpu.memory_space<vmem>> -> memref<1x40xi32, #tpu.memory_space<vmem>>
    %dma_start3A_155 = tpu.memref_squeeze %dma_start3A_154 : memref<1x40xi32, #tpu.memory_space<vmem>> -> memref<40xi32, #tpu.memory_space<vmem>>
    %dma_start3A_156 = arith.constant 0 : i32
    %dma_start3A_157 = arith.constant 0 : i32
    %dma_start3A_158 = tpu.memref_slice %arg11[%dma_start3A_156, %dma_start3A_157] : memref<10000x128xf32, #tpu.memory_space<vmem_shared>> -> memref<10000x128xf32, #tpu.memory_space<vmem_shared>>
    %dma_start3A_159 = tpu.memref_slice %arg13[%dma_start3A_148] : memref<6x!tpu.dma_semaphore, #tpu.memory_space<semaphore_mem>> -> memref<1x!tpu.dma_semaphore, #tpu.memory_space<semaphore_mem>>
    %dma_start3A_160 = tpu.memref_squeeze %dma_start3A_159 : memref<1x!tpu.dma_semaphore, #tpu.memory_space<semaphore_mem>> -> memref<!tpu.dma_semaphore, #tpu.memory_space<semaphore_mem>>
    tpu.enqueue_indirect_dma source(%dma_start3A_152 : memref<40x128xf32, #tpu.memory_space<vmem>>) target(%dma_start3A_158 : memref<10000x128xf32, #tpu.memory_space<vmem_shared>>) offsets(%dma_start3A_155 : memref<40xi32, #tpu.memory_space<vmem>>) semaphore(%dma_start3A_160 : memref<!tpu.dma_semaphore, #tpu.memory_space<semaphore_mem>>) {add = true}
    %dma_wait3A_161 = arith.constant 248 : i32
    %dma_wait3A_162 = arith.constant 2 : i32
    %dma_wait3A_163 = arith.constant 2 : i32
    %dma_wait3A_164 = arith.constant 0 : i32
    %dma_wait3A_165 = arith.constant 0 : i32
    %dma_wait3A_166 = tpu.memref_slice %arg10[%dma_wait3A_162, %dma_wait3A_164, %dma_wait3A_165] : memref<6x40x128xf32, #tpu.memory_space<vmem>> -> memref<1x40x128xf32, #tpu.memory_space<vmem>>
    %dma_wait3A_167 = tpu.memref_squeeze %dma_wait3A_166 : memref<1x40x128xf32, #tpu.memory_space<vmem>> -> memref<40x128xf32, #tpu.memory_space<vmem>>
    %dma_wait3A_168 = arith.constant 0 : i32
    %dma_wait3A_169 = tpu.memref_slice %arg8[%dma_wait3A_161, %dma_wait3A_168] : memref<250x40xi32, #tpu.memory_space<vmem>> -> memref<1x40xi32, #tpu.memory_space<vmem>>
    %dma_wait3A_170 = tpu.memref_squeeze %dma_wait3A_169 : memref<1x40xi32, #tpu.memory_space<vmem>> -> memref<40xi32, #tpu.memory_space<vmem>>
    %dma_wait3A_171 = arith.constant 0 : i32
    %dma_wait3A_172 = arith.constant 0 : i32
    %dma_wait3A_173 = tpu.memref_slice %arg2[%dma_wait3A_171, %dma_wait3A_172] : memref<10000x128xf32, #tpu.memory_space<hbm>> -> memref<10000x128xf32, #tpu.memory_space<hbm>>
    %dma_wait3A_174 = tpu.memref_slice %arg12[%dma_wait3A_163] : memref<6x!tpu.dma_semaphore, #tpu.memory_space<semaphore_mem>> -> memref<1x!tpu.dma_semaphore, #tpu.memory_space<semaphore_mem>>
    %dma_wait3A_175 = tpu.memref_squeeze %dma_wait3A_174 : memref<1x!tpu.dma_semaphore, #tpu.memory_space<semaphore_mem>> -> memref<!tpu.dma_semaphore, #tpu.memory_space<semaphore_mem>>
    tpu.wait_indirect_dma semaphore(%dma_wait3A_175 : memref<!tpu.dma_semaphore, #tpu.memory_space<semaphore_mem>>) src(%dma_wait3A_173 : memref<10000x128xf32, #tpu.memory_space<hbm>>) dst(%dma_wait3A_167 : memref<40x128xf32, #tpu.memory_space<vmem>>)
    %dma_start3A_176 = arith.constant 2 : i32
    %dma_start3A_177 = arith.constant 248 : i32
    %dma_start3A_178 = arith.constant 2 : i32
    %dma_start3A_179 = arith.constant 0 : i32
    %dma_start3A_180 = arith.constant 0 : i32
    %dma_start3A_181 = tpu.memref_slice %arg10[%dma_start3A_176, %dma_start3A_179, %dma_start3A_180] : memref<6x40x128xf32, #tpu.memory_space<vmem>> -> memref<1x40x128xf32, #tpu.memory_space<vmem>>
    %dma_start3A_182 = tpu.memref_squeeze %dma_start3A_181 : memref<1x40x128xf32, #tpu.memory_space<vmem>> -> memref<40x128xf32, #tpu.memory_space<vmem>>
    %dma_start3A_183 = arith.constant 0 : i32
    %dma_start3A_184 = tpu.memref_slice %arg9[%dma_start3A_177, %dma_start3A_183] : memref<250x40xi32, #tpu.memory_space<vmem>> -> memref<1x40xi32, #tpu.memory_space<vmem>>
    %dma_start3A_185 = tpu.memref_squeeze %dma_start3A_184 : memref<1x40xi32, #tpu.memory_space<vmem>> -> memref<40xi32, #tpu.memory_space<vmem>>
    %dma_start3A_186 = arith.constant 0 : i32
    %dma_start3A_187 = arith.constant 0 : i32
    %dma_start3A_188 = tpu.memref_slice %arg11[%dma_start3A_186, %dma_start3A_187] : memref<10000x128xf32, #tpu.memory_space<vmem_shared>> -> memref<10000x128xf32, #tpu.memory_space<vmem_shared>>
    %dma_start3A_189 = tpu.memref_slice %arg13[%dma_start3A_178] : memref<6x!tpu.dma_semaphore, #tpu.memory_space<semaphore_mem>> -> memref<1x!tpu.dma_semaphore, #tpu.memory_space<semaphore_mem>>
    %dma_start3A_190 = tpu.memref_squeeze %dma_start3A_189 : memref<1x!tpu.dma_semaphore, #tpu.memory_space<semaphore_mem>> -> memref<!tpu.dma_semaphore, #tpu.memory_space<semaphore_mem>>
    tpu.enqueue_indirect_dma source(%dma_start3A_182 : memref<40x128xf32, #tpu.memory_space<vmem>>) target(%dma_start3A_188 : memref<10000x128xf32, #tpu.memory_space<vmem_shared>>) offsets(%dma_start3A_185 : memref<40xi32, #tpu.memory_space<vmem>>) semaphore(%dma_start3A_190 : memref<!tpu.dma_semaphore, #tpu.memory_space<semaphore_mem>>) {add = true}
    %dma_wait3A_191 = arith.constant 249 : i32
    %dma_wait3A_192 = arith.constant 3 : i32
    %dma_wait3A_193 = arith.constant 3 : i32
    %dma_wait3A_194 = arith.constant 0 : i32
    %dma_wait3A_195 = arith.constant 0 : i32
    %dma_wait3A_196 = tpu.memref_slice %arg10[%dma_wait3A_192, %dma_wait3A_194, %dma_wait3A_195] : memref<6x40x128xf32, #tpu.memory_space<vmem>> -> memref<1x40x128xf32, #tpu.memory_space<vmem>>
    %dma_wait3A_197 = tpu.memref_squeeze %dma_wait3A_196 : memref<1x40x128xf32, #tpu.memory_space<vmem>> -> memref<40x128xf32, #tpu.memory_space<vmem>>
    %dma_wait3A_198 = arith.constant 0 : i32
    %dma_wait3A_199 = tpu.memref_slice %arg8[%dma_wait3A_191, %dma_wait3A_198] : memref<250x40xi32, #tpu.memory_space<vmem>> -> memref<1x40xi32, #tpu.memory_space<vmem>>
    %dma_wait3A_200 = tpu.memref_squeeze %dma_wait3A_199 : memref<1x40xi32, #tpu.memory_space<vmem>> -> memref<40xi32, #tpu.memory_space<vmem>>
    %dma_wait3A_201 = arith.constant 0 : i32
    %dma_wait3A_202 = arith.constant 0 : i32
    %dma_wait3A_203 = tpu.memref_slice %arg2[%dma_wait3A_201, %dma_wait3A_202] : memref<10000x128xf32, #tpu.memory_space<hbm>> -> memref<10000x128xf32, #tpu.memory_space<hbm>>
    %dma_wait3A_204 = tpu.memref_slice %arg12[%dma_wait3A_193] : memref<6x!tpu.dma_semaphore, #tpu.memory_space<semaphore_mem>> -> memref<1x!tpu.dma_semaphore, #tpu.memory_space<semaphore_mem>>
    %dma_wait3A_205 = tpu.memref_squeeze %dma_wait3A_204 : memref<1x!tpu.dma_semaphore, #tpu.memory_space<semaphore_mem>> -> memref<!tpu.dma_semaphore, #tpu.memory_space<semaphore_mem>>
    tpu.wait_indirect_dma semaphore(%dma_wait3A_205 : memref<!tpu.dma_semaphore, #tpu.memory_space<semaphore_mem>>) src(%dma_wait3A_203 : memref<10000x128xf32, #tpu.memory_space<hbm>>) dst(%dma_wait3A_197 : memref<40x128xf32, #tpu.memory_space<vmem>>)
    %dma_start3A_206 = arith.constant 3 : i32
    %dma_start3A_207 = arith.constant 249 : i32
    %dma_start3A_208 = arith.constant 3 : i32
    %dma_start3A_209 = arith.constant 0 : i32
    %dma_start3A_210 = arith.constant 0 : i32
    %dma_start3A_211 = tpu.memref_slice %arg10[%dma_start3A_206, %dma_start3A_209, %dma_start3A_210] : memref<6x40x128xf32, #tpu.memory_space<vmem>> -> memref<1x40x128xf32, #tpu.memory_space<vmem>>
    %dma_start3A_212 = tpu.memref_squeeze %dma_start3A_211 : memref<1x40x128xf32, #tpu.memory_space<vmem>> -> memref<40x128xf32, #tpu.memory_space<vmem>>
    %dma_start3A_213 = arith.constant 0 : i32
    %dma_start3A_214 = tpu.memref_slice %arg9[%dma_start3A_207, %dma_start3A_213] : memref<250x40xi32, #tpu.memory_space<vmem>> -> memref<1x40xi32, #tpu.memory_space<vmem>>
    %dma_start3A_215 = tpu.memref_squeeze %dma_start3A_214 : memref<1x40xi32, #tpu.memory_space<vmem>> -> memref<40xi32, #tpu.memory_space<vmem>>
    %dma_start3A_216 = arith.constant 0 : i32
    %dma_start3A_217 = arith.constant 0 : i32
    %dma_start3A_218 = tpu.memref_slice %arg11[%dma_start3A_216, %dma_start3A_217] : memref<10000x128xf32, #tpu.memory_space<vmem_shared>> -> memref<10000x128xf32, #tpu.memory_space<vmem_shared>>
    %dma_start3A_219 = tpu.memref_slice %arg13[%dma_start3A_208] : memref<6x!tpu.dma_semaphore, #tpu.memory_space<semaphore_mem>> -> memref<1x!tpu.dma_semaphore, #tpu.memory_space<semaphore_mem>>
    %dma_start3A_220 = tpu.memref_squeeze %dma_start3A_219 : memref<1x!tpu.dma_semaphore, #tpu.memory_space<semaphore_mem>> -> memref<!tpu.dma_semaphore, #tpu.memory_space<semaphore_mem>>
    tpu.enqueue_indirect_dma source(%dma_start3A_212 : memref<40x128xf32, #tpu.memory_space<vmem>>) target(%dma_start3A_218 : memref<10000x128xf32, #tpu.memory_space<vmem_shared>>) offsets(%dma_start3A_215 : memref<40xi32, #tpu.memory_space<vmem>>) semaphore(%dma_start3A_220 : memref<!tpu.dma_semaphore, #tpu.memory_space<semaphore_mem>>) {add = true}
    %dma_wait3A_221 = arith.constant 0 : i32
    %dma_wait3A_222 = arith.constant 246 : i32
    %dma_wait3A_223 = arith.constant 0 : i32
    %dma_wait3A_224 = arith.constant 0 : i32
    %dma_wait3A_225 = arith.constant 0 : i32
    %dma_wait3A_226 = tpu.memref_slice %arg10[%dma_wait3A_221, %dma_wait3A_224, %dma_wait3A_225] : memref<6x40x128xf32, #tpu.memory_space<vmem>> -> memref<1x40x128xf32, #tpu.memory_space<vmem>>
    %dma_wait3A_227 = tpu.memref_squeeze %dma_wait3A_226 : memref<1x40x128xf32, #tpu.memory_space<vmem>> -> memref<40x128xf32, #tpu.memory_space<vmem>>
    %dma_wait3A_228 = arith.constant 0 : i32
    %dma_wait3A_229 = tpu.memref_slice %arg9[%dma_wait3A_222, %dma_wait3A_228] : memref<250x40xi32, #tpu.memory_space<vmem>> -> memref<1x40xi32, #tpu.memory_space<vmem>>
    %dma_wait3A_230 = tpu.memref_squeeze %dma_wait3A_229 : memref<1x40xi32, #tpu.memory_space<vmem>> -> memref<40xi32, #tpu.memory_space<vmem>>
    %dma_wait3A_231 = arith.constant 0 : i32
    %dma_wait3A_232 = arith.constant 0 : i32
    %dma_wait3A_233 = tpu.memref_slice %arg11[%dma_wait3A_231, %dma_wait3A_232] : memref<10000x128xf32, #tpu.memory_space<vmem_shared>> -> memref<10000x128xf32, #tpu.memory_space<vmem_shared>>
    %dma_wait3A_234 = tpu.memref_slice %arg13[%dma_wait3A_223] : memref<6x!tpu.dma_semaphore, #tpu.memory_space<semaphore_mem>> -> memref<1x!tpu.dma_semaphore, #tpu.memory_space<semaphore_mem>>
    %dma_wait3A_235 = tpu.memref_squeeze %dma_wait3A_234 : memref<1x!tpu.dma_semaphore, #tpu.memory_space<semaphore_mem>> -> memref<!tpu.dma_semaphore, #tpu.memory_space<semaphore_mem>>
    tpu.wait_indirect_dma semaphore(%dma_wait3A_235 : memref<!tpu.dma_semaphore, #tpu.memory_space<semaphore_mem>>) src(%dma_wait3A_227 : memref<40x128xf32, #tpu.memory_space<vmem>>) dst(%dma_wait3A_233 : memref<10000x128xf32, #tpu.memory_space<vmem_shared>>)
    %dma_wait3A_236 = arith.constant 1 : i32
    %dma_wait3A_237 = arith.constant 247 : i32
    %dma_wait3A_238 = arith.constant 1 : i32
    %dma_wait3A_239 = arith.constant 0 : i32
    %dma_wait3A_240 = arith.constant 0 : i32
    %dma_wait3A_241 = tpu.memref_slice %arg10[%dma_wait3A_236, %dma_wait3A_239, %dma_wait3A_240] : memref<6x40x128xf32, #tpu.memory_space<vmem>> -> memref<1x40x128xf32, #tpu.memory_space<vmem>>
    %dma_wait3A_242 = tpu.memref_squeeze %dma_wait3A_241 : memref<1x40x128xf32, #tpu.memory_space<vmem>> -> memref<40x128xf32, #tpu.memory_space<vmem>>
    %dma_wait3A_243 = arith.constant 0 : i32
    %dma_wait3A_244 = tpu.memref_slice %arg9[%dma_wait3A_237, %dma_wait3A_243] : memref<250x40xi32, #tpu.memory_space<vmem>> -> memref<1x40xi32, #tpu.memory_space<vmem>>
    %dma_wait3A_245 = tpu.memref_squeeze %dma_wait3A_244 : memref<1x40xi32, #tpu.memory_space<vmem>> -> memref<40xi32, #tpu.memory_space<vmem>>
    %dma_wait3A_246 = arith.constant 0 : i32
    %dma_wait3A_247 = arith.constant 0 : i32
    %dma_wait3A_248 = tpu.memref_slice %arg11[%dma_wait3A_246, %dma_wait3A_247] : memref<10000x128xf32, #tpu.memory_space<vmem_shared>> -> memref<10000x128xf32, #tpu.memory_space<vmem_shared>>
    %dma_wait3A_249 = tpu.memref_slice %arg13[%dma_wait3A_238] : memref<6x!tpu.dma_semaphore, #tpu.memory_space<semaphore_mem>> -> memref<1x!tpu.dma_semaphore, #tpu.memory_space<semaphore_mem>>
    %dma_wait3A_250 = tpu.memref_squeeze %dma_wait3A_249 : memref<1x!tpu.dma_semaphore, #tpu.memory_space<semaphore_mem>> -> memref<!tpu.dma_semaphore, #tpu.memory_space<semaphore_mem>>
    tpu.wait_indirect_dma semaphore(%dma_wait3A_250 : memref<!tpu.dma_semaphore, #tpu.memory_space<semaphore_mem>>) src(%dma_wait3A_242 : memref<40x128xf32, #tpu.memory_space<vmem>>) dst(%dma_wait3A_248 : memref<10000x128xf32, #tpu.memory_space<vmem_shared>>)
    %dma_wait3A_251 = arith.constant 2 : i32
    %dma_wait3A_252 = arith.constant 248 : i32
    %dma_wait3A_253 = arith.constant 2 : i32
    %dma_wait3A_254 = arith.constant 0 : i32
    %dma_wait3A_255 = arith.constant 0 : i32
    %dma_wait3A_256 = tpu.memref_slice %arg10[%dma_wait3A_251, %dma_wait3A_254, %dma_wait3A_255] : memref<6x40x128xf32, #tpu.memory_space<vmem>> -> memref<1x40x128xf32, #tpu.memory_space<vmem>>
    %dma_wait3A_257 = tpu.memref_squeeze %dma_wait3A_256 : memref<1x40x128xf32, #tpu.memory_space<vmem>> -> memref<40x128xf32, #tpu.memory_space<vmem>>
    %dma_wait3A_258 = arith.constant 0 : i32
    %dma_wait3A_259 = tpu.memref_slice %arg9[%dma_wait3A_252, %dma_wait3A_258] : memref<250x40xi32, #tpu.memory_space<vmem>> -> memref<1x40xi32, #tpu.memory_space<vmem>>
    %dma_wait3A_260 = tpu.memref_squeeze %dma_wait3A_259 : memref<1x40xi32, #tpu.memory_space<vmem>> -> memref<40xi32, #tpu.memory_space<vmem>>
    %dma_wait3A_261 = arith.constant 0 : i32
    %dma_wait3A_262 = arith.constant 0 : i32
    %dma_wait3A_263 = tpu.memref_slice %arg11[%dma_wait3A_261, %dma_wait3A_262] : memref<10000x128xf32, #tpu.memory_space<vmem_shared>> -> memref<10000x128xf32, #tpu.memory_space<vmem_shared>>
    %dma_wait3A_264 = tpu.memref_slice %arg13[%dma_wait3A_253] : memref<6x!tpu.dma_semaphore, #tpu.memory_space<semaphore_mem>> -> memref<1x!tpu.dma_semaphore, #tpu.memory_space<semaphore_mem>>
    %dma_wait3A_265 = tpu.memref_squeeze %dma_wait3A_264 : memref<1x!tpu.dma_semaphore, #tpu.memory_space<semaphore_mem>> -> memref<!tpu.dma_semaphore, #tpu.memory_space<semaphore_mem>>
    tpu.wait_indirect_dma semaphore(%dma_wait3A_265 : memref<!tpu.dma_semaphore, #tpu.memory_space<semaphore_mem>>) src(%dma_wait3A_257 : memref<40x128xf32, #tpu.memory_space<vmem>>) dst(%dma_wait3A_263 : memref<10000x128xf32, #tpu.memory_space<vmem_shared>>)
    %dma_wait3A_266 = arith.constant 3 : i32
    %dma_wait3A_267 = arith.constant 249 : i32
    %dma_wait3A_268 = arith.constant 3 : i32
    %dma_wait3A_269 = arith.constant 0 : i32
    %dma_wait3A_270 = arith.constant 0 : i32
    %dma_wait3A_271 = tpu.memref_slice %arg10[%dma_wait3A_266, %dma_wait3A_269, %dma_wait3A_270] : memref<6x40x128xf32, #tpu.memory_space<vmem>> -> memref<1x40x128xf32, #tpu.memory_space<vmem>>
    %dma_wait3A_272 = tpu.memref_squeeze %dma_wait3A_271 : memref<1x40x128xf32, #tpu.memory_space<vmem>> -> memref<40x128xf32, #tpu.memory_space<vmem>>
    %dma_wait3A_273 = arith.constant 0 : i32
    %dma_wait3A_274 = tpu.memref_slice %arg9[%dma_wait3A_267, %dma_wait3A_273] : memref<250x40xi32, #tpu.memory_space<vmem>> -> memref<1x40xi32, #tpu.memory_space<vmem>>
    %dma_wait3A_275 = tpu.memref_squeeze %dma_wait3A_274 : memref<1x40xi32, #tpu.memory_space<vmem>> -> memref<40xi32, #tpu.memory_space<vmem>>
    %dma_wait3A_276 = arith.constant 0 : i32
    %dma_wait3A_277 = arith.constant 0 : i32
    %dma_wait3A_278 = tpu.memref_slice %arg11[%dma_wait3A_276, %dma_wait3A_277] : memref<10000x128xf32, #tpu.memory_space<vmem_shared>> -> memref<10000x128xf32, #tpu.memory_space<vmem_shared>>
    %dma_wait3A_279 = tpu.memref_slice %arg13[%dma_wait3A_268] : memref<6x!tpu.dma_semaphore, #tpu.memory_space<semaphore_mem>> -> memref<1x!tpu.dma_semaphore, #tpu.memory_space<semaphore_mem>>
    %dma_wait3A_280 = tpu.memref_squeeze %dma_wait3A_279 : memref<1x!tpu.dma_semaphore, #tpu.memory_space<semaphore_mem>> -> memref<!tpu.dma_semaphore, #tpu.memory_space<semaphore_mem>>
    tpu.wait_indirect_dma semaphore(%dma_wait3A_280 : memref<!tpu.dma_semaphore, #tpu.memory_space<semaphore_mem>>) src(%dma_wait3A_272 : memref<40x128xf32, #tpu.memory_space<vmem>>) dst(%dma_wait3A_278 : memref<10000x128xf32, #tpu.memory_space<vmem_shared>>)
    %barrier3A_281 = arith.constant 0 : index
    tpu.barrier barrier_id(%barrier3A_281)
    %eq3A_282 = arith.constant 0 : i32
    %eq3A_283 = arith.cmpi eq, %arg0, %eq3A_282 : i32
    %convert_element_type3A_284 = arith.extui %eq3A_283 : i1 to i32
    %cond3A_285 = arith.constant 0 : i32
    %cond3A_286 = arith.cmpi ne, %convert_element_type3A_284, %cond3A_285 : i32
    scf.if %cond3A_286 {
      "tpu.region"() ({
        %run_scoped3A = tpu.sem_alloc : memref<!tpu.dma_semaphore, #tpu.memory_space<semaphore_mem>>
        %dma_start3A_292 = arith.constant 0 : i32
        %dma_start3A_293 = tpu.memref_slice %arg6[%mul3A_2, %dma_start3A_292] : memref<10000x128xf32, #tpu.memory_space<hbm>> -> memref<625x128xf32, #tpu.memory_space<hbm>>
        %dma_start3A_294 = arith.constant 0 : i32
        %dma_start3A_295 = tpu.memref_slice %arg11[%mul3A_2, %dma_start3A_294] : memref<10000x128xf32, #tpu.memory_space<vmem_shared>> -> memref<625x128xf32, #tpu.memory_space<vmem_shared>>
        tpu.enqueue_dma source(%dma_start3A_295 : memref<625x128xf32, #tpu.memory_space<vmem_shared>>) target(%dma_start3A_293 : memref<625x128xf32, #tpu.memory_space<hbm>>) target_semaphore(%run_scoped3A : memref<!tpu.dma_semaphore, #tpu.memory_space<semaphore_mem>>)
        %dma_wait3A_296 = arith.constant 0 : i32
        %dma_wait3A_297 = tpu.memref_slice %arg6[%mul3A_2, %dma_wait3A_296] : memref<10000x128xf32, #tpu.memory_space<hbm>> -> memref<625x128xf32, #tpu.memory_space<hbm>>
        %dma_wait3A_298 = arith.constant 0 : i32
        %dma_wait3A_299 = tpu.memref_slice %arg11[%mul3A_2, %dma_wait3A_298] : memref<10000x128xf32, #tpu.memory_space<vmem_shared>> -> memref<625x128xf32, #tpu.memory_space<vmem_shared>>
        tpu.wait_dma2 semaphore(%run_scoped3A : memref<!tpu.dma_semaphore, #tpu.memory_space<semaphore_mem>>) src(%dma_wait3A_299 : memref<625x128xf32, #tpu.memory_space<vmem_shared>>) dst(%dma_wait3A_297 : memref<625x128xf32, #tpu.memory_space<hbm>>)
        tpu.yield
      }) : () -> ()
    } else {
    }
    %ne3A_287 = arith.constant 0 : i32
    %ne3A_288 = arith.cmpi ne, %arg0, %ne3A_287 : i32
    %convert_element_type3A_289 = arith.extui %ne3A_288 : i1 to i32
    %cond3A_290 = arith.constant 0 : i32
    %cond3A_291 = arith.cmpi ne, %convert_element_type3A_289, %cond3A_290 : i32
    scf.if %cond3A_291 {
      "tpu.region"() ({
        %run_scoped3A = tpu.sem_alloc : memref<!tpu.dma_semaphore, #tpu.memory_space<semaphore_mem>>
        %dma_start3A_292 = arith.constant 0 : i32
        %dma_start3A_293 = tpu.memref_slice %arg7[%mul3A_2, %dma_start3A_292] : memref<10000x128xf32, #tpu.memory_space<hbm>> -> memref<625x128xf32, #tpu.memory_space<hbm>>
        %dma_start3A_294 = arith.constant 0 : i32
        %dma_start3A_295 = tpu.memref_slice %arg11[%mul3A_2, %dma_start3A_294] : memref<10000x128xf32, #tpu.memory_space<vmem_shared>> -> memref<625x128xf32, #tpu.memory_space<vmem_shared>>
        tpu.enqueue_dma source(%dma_start3A_295 : memref<625x128xf32, #tpu.memory_space<vmem_shared>>) target(%dma_start3A_293 : memref<625x128xf32, #tpu.memory_space<hbm>>) target_semaphore(%run_scoped3A : memref<!tpu.dma_semaphore, #tpu.memory_space<semaphore_mem>>)
        %dma_wait3A_296 = arith.constant 0 : i32
        %dma_wait3A_297 = tpu.memref_slice %arg7[%mul3A_2, %dma_wait3A_296] : memref<10000x128xf32, #tpu.memory_space<hbm>> -> memref<625x128xf32, #tpu.memory_space<hbm>>
        %dma_wait3A_298 = arith.constant 0 : i32
        %dma_wait3A_299 = tpu.memref_slice %arg11[%mul3A_2, %dma_wait3A_298] : memref<10000x128xf32, #tpu.memory_space<vmem_shared>> -> memref<625x128xf32, #tpu.memory_space<vmem_shared>>
        tpu.wait_dma2 semaphore(%run_scoped3A : memref<!tpu.dma_semaphore, #tpu.memory_space<semaphore_mem>>) src(%dma_wait3A_299 : memref<625x128xf32, #tpu.memory_space<vmem_shared>>) dst(%dma_wait3A_297 : memref<625x128xf32, #tpu.memory_space<hbm>>)
        tpu.yield
      }) : () -> ()
    } else {
    }
    return
  }
}

module attributes {stable_mosaic.version = 14 : i64} {
  func.func @_transform_body(%arg0: i32, %arg1: memref<1000x128xf32, #tpu.memory_space<vmem>>, %arg2: memref<128x128xf32, #tpu.memory_space<vmem>>, %arg3: memref<128x128xf32, #tpu.memory_space<vmem>>, %arg4: memref<1000x1xf32, #tpu.memory_space<vmem>>, %arg5: memref<1000x1xf32, #tpu.memory_space<vmem>>, %arg6: memref<1000x128xf32, #tpu.memory_space<vmem>>, %arg7: memref<1000x1xf32, #tpu.memory_space<vmem>>) attributes {dimension_semantics = [#tpu.dimension_semantics<arbitrary>], iteration_bounds = array<i64: 10>, scalar_prefetch = 0 : i64, scratch_operands = 0 : i64, tpu.core_type = #tpu.core_type<tc>, window_params = [{transform_indices = @transform_0, window_bounds = array<i64: 1000, 128>}, {pipeline_mode = #tpu.pipeline_mode<synchronous>, transform_indices = @transform_1, window_bounds = array<i64: 128, 128>}, {pipeline_mode = #tpu.pipeline_mode<synchronous>, transform_indices = @transform_2, window_bounds = array<i64: 128, 128>}, {transform_indices = @transform_3, window_bounds = array<i64: 1000, 1>}, {transform_indices = @transform_4, window_bounds = array<i64: 1000, 1>}, {transform_indices = @transform_5, window_bounds = array<i64: 1000, 128>}, {transform_indices = @transform_6, window_bounds = array<i64: 1000, 1>}]} {
    %get3A = arith.constant 0 : index
    %get3A_0 = arith.constant 0 : index
    %get3A_1 = vector.load %arg1[%get3A, %get3A_0] : memref<1000x128xf32, #tpu.memory_space<vmem>>, vector<1000x128xf32>
    %get3A_2 = arith.constant 0 : index
    %get3A_3 = arith.constant 0 : index
    %get3A_4 = vector.load %arg2[%get3A_2, %get3A_3] : memref<128x128xf32, #tpu.memory_space<vmem>>, vector<128x128xf32>
    %dot_general3A = arith.constant dense<0.000000e+00> : vector<1000x128xf32>
    %dot_general3A_5 = tpu.matmul %get3A_1, %get3A_4, %dot_general3A {dimension_numbers = #tpu.dot_dimension_numbers<[1], [0], [0], [1], [0, 0, 1, 1], [], []>, transpose_lhs_hint = false} : vector<1000x128xf32>, vector<128x128xf32>, vector<1000x128xf32> -> vector<1000x128xf32>
    %get3A_6 = arith.constant 0 : index
    %get3A_7 = arith.constant 0 : index
    %get3A_8 = vector.load %arg3[%get3A_6, %get3A_7] : memref<128x128xf32, #tpu.memory_space<vmem>>, vector<128x128xf32>
    %dot_general3A_9 = arith.constant dense<0.000000e+00> : vector<1000x128xf32>
    %dot_general3A_10 = tpu.matmul %dot_general3A_5, %get3A_8, %dot_general3A_9 {dimension_numbers = #tpu.dot_dimension_numbers<[1], [0], [0], [1], [0, 0, 1, 1], [], []>, transpose_lhs_hint = false} : vector<1000x128xf32>, vector<128x128xf32>, vector<1000x128xf32> -> vector<1000x128xf32>
    %get3A_11 = arith.constant 0 : index
    %get3A_12 = arith.constant 0 : index
    %get3A_13 = vector.load %arg4[%get3A_11, %get3A_12] : memref<1000x1xf32, #tpu.memory_space<vmem>>, vector<1000x1xf32>
    %get3A_14 = arith.constant 0 : index
    %get3A_15 = arith.constant 0 : index
    %get3A_16 = vector.load %arg5[%get3A_14, %get3A_15] : memref<1000x1xf32, #tpu.memory_space<vmem>>, vector<1000x1xf32>
    %add3A = arith.addf %get3A_13, %get3A_16 : vector<1000x1xf32>
    %add3A_17 = arith.constant 1.000000e+00 : f32
    %add3A_18 = vector.broadcast %add3A_17 : f32 to vector<1000x1xf32>
    %add3A_19 = arith.addf %add3A, %add3A_18 : vector<1000x1xf32>
    %rsqrt3A = math.rsqrt %add3A_19 : vector<1000x1xf32>
    %mul3A = vector.broadcast %rsqrt3A : vector<1000x1xf32> to vector<1000x128xf32>
    %mul3A_20 = arith.mulf %dot_general3A_10, %mul3A : vector<1000x128xf32>
    %swap3A = arith.constant 0 : index
    %swap3A_21 = arith.constant 0 : index
    %swap3A_22 = vector.load %arg6[%swap3A, %swap3A_21] : memref<1000x128xf32, #tpu.memory_space<vmem>>, vector<1000x128xf32>
    tpu.vector_store %arg6[%swap3A, %swap3A_21], %mul3A_20 {strides = array<i32>} : memref<1000x128xf32, #tpu.memory_space<vmem>>, vector<1000x128xf32>,
    %swap3A_23 = arith.constant 0 : index
    %swap3A_24 = arith.constant 0 : index
    %swap3A_25 = vector.load %arg7[%swap3A_23, %swap3A_24] : memref<1000x1xf32, #tpu.memory_space<vmem>>, vector<1000x1xf32>
    tpu.vector_store %arg7[%swap3A_23, %swap3A_24], %rsqrt3A {strides = array<i32>} : memref<1000x1xf32, #tpu.memory_space<vmem>>, vector<1000x1xf32>,
    return
  }
  func.func @transform_0(%arg0: i32) -> (i32, i32) {
    %c0_i32 = arith.constant 0 : i32
    %c0_i32_0 = arith.constant 0 : i32
    return %arg0, %c0_i32 : i32, i32
  }
  func.func @transform_1(%arg0: i32) -> (i32, i32) {
    %c0_i32 = arith.constant 0 : i32
    %c0_i32_0 = arith.constant 0 : i32
    %c0_i32_1 = arith.constant 0 : i32
    return %c0_i32, %c0_i32_0 : i32, i32
  }
  func.func @transform_2(%arg0: i32) -> (i32, i32) {
    %c0_i32 = arith.constant 0 : i32
    %c0_i32_0 = arith.constant 0 : i32
    %c0_i32_1 = arith.constant 0 : i32
    return %c0_i32, %c0_i32_0 : i32, i32
  }
  func.func @transform_3(%arg0: i32) -> (i32, i32) {
    %c0_i32 = arith.constant 0 : i32
    %c0_i32_0 = arith.constant 0 : i32
    return %arg0, %c0_i32 : i32, i32
  }
  func.func @transform_4(%arg0: i32) -> (i32, i32) {
    %c0_i32 = arith.constant 0 : i32
    %c0_i32_0 = arith.constant 0 : i32
    return %arg0, %c0_i32 : i32, i32
  }
  func.func @transform_5(%arg0: i32) -> (i32, i32) {
    %c0_i32 = arith.constant 0 : i32
    %c0_i32_0 = arith.constant 0 : i32
    return %arg0, %c0_i32 : i32, i32
  }
  func.func @transform_6(%arg0: i32) -> (i32, i32) {
    %c0_i32 = arith.constant 0 : i32
    %c0_i32_0 = arith.constant 0 : i32
    return %arg0, %c0_i32 : i32, i32
  }
}

module attributes {stable_mosaic.version = 14 : i64} {
  func.func @_epilogue_body(%arg0: i32, %arg1: memref<1000x128xf32, #tpu.memory_space<vmem>>, %arg2: memref<1000x128xf32, #tpu.memory_space<vmem>>, %arg3: memref<1000x1xf32, #tpu.memory_space<vmem>>, %arg4: memref<1x128xf32, #tpu.memory_space<vmem>>, %arg5: memref<1000x128xf32, #tpu.memory_space<vmem>>) attributes {dimension_semantics = [#tpu.dimension_semantics<arbitrary>], iteration_bounds = array<i64: 10>, scalar_prefetch = 0 : i64, scratch_operands = 0 : i64, tpu.core_type = #tpu.core_type<tc>, window_params = [{transform_indices = @transform_0, window_bounds = array<i64: 1000, 128>}, {transform_indices = @transform_1, window_bounds = array<i64: 1000, 128>}, {transform_indices = @transform_2, window_bounds = array<i64: 1000, 1>}, {pipeline_mode = #tpu.pipeline_mode<synchronous>, transform_indices = @transform_3, window_bounds = array<i64: 1, 128>}, {transform_indices = @transform_4, window_bounds = array<i64: 1000, 128>}]} {
    %get3A = arith.constant 0 : index
    %get3A_0 = arith.constant 0 : index
    %get3A_1 = vector.load %arg1[%get3A, %get3A_0] : memref<1000x128xf32, #tpu.memory_space<vmem>>, vector<1000x128xf32>
    %get3A_2 = arith.constant 0 : index
    %get3A_3 = arith.constant 0 : index
    %get3A_4 = vector.load %arg2[%get3A_2, %get3A_3] : memref<1000x128xf32, #tpu.memory_space<vmem>>, vector<1000x128xf32>
    %add3A = arith.addf %get3A_1, %get3A_4 : vector<1000x128xf32>
    %get3A_5 = arith.constant 0 : index
    %get3A_6 = arith.constant 0 : index
    %get3A_7 = vector.load %arg3[%get3A_5, %get3A_6] : memref<1000x1xf32, #tpu.memory_space<vmem>>, vector<1000x1xf32>
    %mul3A = vector.broadcast %get3A_7 : vector<1000x1xf32> to vector<1000x128xf32>
    %mul3A_8 = arith.mulf %add3A, %mul3A : vector<1000x128xf32>
    %get3A_9 = arith.constant 0 : index
    %get3A_10 = arith.constant 0 : index
    %get3A_11 = vector.load %arg4[%get3A_9, %get3A_10] : memref<1x128xf32, #tpu.memory_space<vmem>>, vector<1x128xf32>
    %add3A_12 = vector.broadcast %get3A_11 : vector<1x128xf32> to vector<1000x128xf32>
    %add3A_13 = arith.addf %mul3A_8, %add3A_12 : vector<1000x128xf32>
    %ge3A = arith.constant 0.000000e+00 : f32
    %ge3A_14 = vector.broadcast %ge3A : f32 to vector<1000x128xf32>
    %ge3A_15 = arith.cmpf oge, %add3A_13, %ge3A_14 : vector<1000x128xf32>
    %mul3A_16 = arith.constant 2.000000e-01 : f32
    %mul3A_17 = vector.broadcast %mul3A_16 : f32 to vector<1000x128xf32>
    %mul3A_18 = arith.mulf %mul3A_17, %add3A_13 : vector<1000x128xf32>
    %select_n3A = arith.select %ge3A_15, %add3A_13, %mul3A_18 : vector<1000x128xi1>, vector<1000x128xf32>
    %swap3A = arith.constant 0 : index
    %swap3A_19 = arith.constant 0 : index
    %swap3A_20 = vector.load %arg5[%swap3A, %swap3A_19] : memref<1000x128xf32, #tpu.memory_space<vmem>>, vector<1000x128xf32>
    tpu.vector_store %arg5[%swap3A, %swap3A_19], %select_n3A {strides = array<i32>} : memref<1000x128xf32, #tpu.memory_space<vmem>>, vector<1000x128xf32>,
    return
  }
  func.func @transform_0(%arg0: i32) -> (i32, i32) {
    %c0_i32 = arith.constant 0 : i32
    %c0_i32_0 = arith.constant 0 : i32
    return %arg0, %c0_i32 : i32, i32
  }
  func.func @transform_1(%arg0: i32) -> (i32, i32) {
    %c0_i32 = arith.constant 0 : i32
    %c0_i32_0 = arith.constant 0 : i32
    return %arg0, %c0_i32 : i32, i32
  }
  func.func @transform_2(%arg0: i32) -> (i32, i32) {
    %c0_i32 = arith.constant 0 : i32
    %c0_i32_0 = arith.constant 0 : i32
    return %arg0, %c0_i32 : i32, i32
  }
  func.func @transform_3(%arg0: i32) -> (i32, i32) {
    %c0_i32 = arith.constant 0 : i32
    %c0_i32_0 = arith.constant 0 : i32
    %c0_i32_1 = arith.constant 0 : i32
    return %c0_i32, %c0_i32_0 : i32, i32
  }
  func.func @transform_4(%arg0: i32) -> (i32, i32) {
    %c0_i32 = arith.constant 0 : i32
    %c0_i32_0 = arith.constant 0 : i32
    return %arg0, %c0_i32 : i32, i32
  }
}

</mosaic_0001>

<sc_bundles>
// kernel: kernel.6.cloned.1.call-start
scs
__scs_entry_jumppad:
0x0: {  	(pc) =	sbr.rel $0x88, $3  }
0x1: {  	(tag) =	ssettag $0x0;
	lr =	simm.s32 $0x1  }
0x2: {  	[smem:$0x3F9C] =	sst lr;
	_ =	strace $0xD0000000  }
0x3: {  	_ = 	snop  }
0x4: {  	_ = 	snop  }
0x5: {  	_ = 	snop  }
0x6: {  	_ = 	snop  }
0x7: {  	_ = 	snop  }
__scs_overlays_trampoline_lowered:
0x8: {  	[smem:$0x3FAB] =	sst s0  }
0x9: {  	[smem:$0x3FAC] =	sst s1  }
0xa: {  	[smem:$0x3FAD] =	sst s2  }
0xb: {  	[smem:$0x3FAE] =	sst s3  }
0xc: {  	[smem:$0x3FAF] =	sst s4  }
0xd: {  	[smem:$0x3FB0] =	sst s5  }
0xe: {  	[smem:$0x3FB1] =	sst s6  }
0xf: {  	[smem:$0x3FB2] =	sst s7  }
0x10: {  	[smem:$0x3FB3] =	sst s8  }
0x11: {  	[smem:$0x3FB4] =	sst s9;
	s0 =	simm.s32 @!p0 $0x0  }
0x12: {  	s1 =	sld [smem:$0x3F9A];
	s0 =	simm.s32 @p0 $0x1  }
0x13: {  	[smem:$0x3FB5] =	sst s0;
	s0 =	simm.s32 @!p1 $0x0  }
0x14: {  	s2 =	sld [smem:$0x3F99];
	s0 =	simm.s32 @p1 $0x1  }
0x15: {  	[smem:$0x3FB6] =	sst s0;
	s0 =	simm.s32 @!p2 $0x0  }
0x16: {  	s3 =	sld [smem:$0x3FDB];
	s0 =	simm.s32 @p2 $0x1  }
0x17: {  	s4 =	simm.s32 $0x1BF5;
	[smem:$0x3FB8] =	sst s0  }
0x18: {  	s0 =	sld [smem:$0x3F9B];
	_ =	swait.ge [sflag:s4], $0x0  }
0x19: {  	s7 =	sld [smem:$0x3F9C]  }
0x1a: {  	s8 =	sadd.s32 $0xFFFFE003, lr  }
0x1b: {  	s9 =	sadd.s32 $0xFFFFFEF7, lr;
	s5 =	simm.s32 $0xFFFFFFFF;
	p2 =	slt.u32 s8, $0xFFFFF086  }
0x1c: {  	p1 =	slt.u32 s9, $0xF7A;
	s5 =	simm.s32 @!p2 $0x0  }
0x1d: {  	s5 =	simm.s32 @p1 $0x1;
	p0 =	seq.s32 s7, s2  }
0x1e: {  	s7 =	smul.u32 @!p0 $0xF7A, s2;
	p2 =	seq.s32 @!p0 s5, $0x0  }
0x1f: {  	s9 =	smul.u32 $0xF7A, s1;
	s8 =	simm.s32 @!p0 $0x1BF5;
	p2 =	por !p2, p0  }
0x20: {  	[sflag:s8] =	ssyncset.s32 @!p0 $0xFFFFF086;
	s6 =	sadd.s32 @!p0 s3, s7;
	s7 =	simm.s32 @!p0 $0x108  }
0x21: {  	s3 =	sadd.s32 s3, s9;
	s6 =	sadd.s32 @!p0 $0x88, s6;
	s7 =	simm.s32 @p2 $0x1082  }
0x22: {  	[simem:s7], [sflag:s8] =	dma.local @!p0 [hbm:s6], $0xF7A  }
0x23: {  	s9 =	sor.u32 $0xD0000000, s2;
	s6 =	simm.s32 $0x108;
	_ =	swait.ge @!p0 [sflag:s8], $0x0  }
0x24: {  	s3 =	sadd.s32 $0x88, s3;
	s6 =	simm.s32 @!p1 $0x1082;
	[sflag:s4] =	ssyncset.s32 $0xFFFFF086  }
0x25: {  	[simem:s6], [sflag:s4] =	dma.local [hbm:s3], $0xF7A  }
0x26: {  	[smem:$0x3F9C] =	sst s1;
	(tag) =	ssettag s2;
	_ =	strace s9  }
0x27: {  	s1 =	sld [smem:$0x3FAC]  }
0x28: {  	s2 =	sld [smem:$0x3FAD]  }
0x29: {  	s4 =	sld [smem:$0x3FAF]  }
0x2a: {  	p0 =	seq.s32 s5, $0x0;
	s5 =	sld [smem:$0x3FB0]  }
0x2b: {  	s6 =	sld [smem:$0x3FB1]  }
0x2c: {  	s7 =	sld [smem:$0x3FB2]  }
0x2d: {  	s3 =	simm.s32 $0x108;
	s8 =	sld [smem:$0x3FB3]  }
0x2e: {  	s3 =	simm.s32 @!p0 $0x1082;
	s9 =	sld [smem:$0x3FB4]  }
0x2f: {  	lr =	sadd.s32 s0, s3;
	s0 =	sld [smem:$0x3FAB]  }
0x30: {  	s3 =	sld [smem:$0x3FAE]  }
0x31: {  	[smem:$0x3FB7] =	sst s10  }
0x32: {  	s10 =	sld [smem:$0x3FB5];
	_ =	sdelay $0x3  }
0x33: {  	p0 =	seq.s32 s10, $0x1;
	s10 =	sld [smem:$0x3FB7];
	_ =	sdelay $0x3  }
0x34: {  	[smem:$0x3FB7] =	sst s10  }
0x35: {  	s10 =	sld [smem:$0x3FB6];
	_ =	sdelay $0x3  }
0x36: {  	p1 =	seq.s32 s10, $0x1;
	s10 =	sld [smem:$0x3FB7];
	_ =	sdelay $0x3  }
0x37: {  	[smem:$0x3FB7] =	sst s10  }
0x38: {  	s10 =	sld [smem:$0x3FB8]  }
0x39: {  	_ = 	snop;
	(pc) =	sbr.ind lr, $3  }
0x3a: {  	_ = 	snop  }
0x3b: {  	_ = 	snop  }
0x3c: {  	p2 =	seq.s32 s10, $0x1;
	s10 =	sld [smem:$0x3FB7]  }
0x3d: {  	_ =	shalt  }
0x3e: {  	_ =	shalt  }
0x3f: {  	_ =	shalt  }
0x40: {  	_ =	shalt  }
0x41: {  	_ =	shalt  }
0x42: {  	_ =	shalt  }
0x43: {  	_ =	shalt  }
0x44: {  	_ =	shalt  }
0x45: {  	_ =	shalt  }
0x46: {  	_ =	shalt  }
0x47: {  	_ =	shalt  }
0x48: {  	_ =	shalt  }
0x49: {  	_ =	shalt  }
0x4a: {  	_ =	shalt  }
0x4b: {  	_ =	shalt  }
0x4c: {  	_ =	shalt  }
0x4d: {  	_ =	shalt  }
0x4e: {  	_ =	shalt  }
0x4f: {  	_ =	shalt  }
0x50: {  	_ =	shalt  }
0x51: {  	_ =	shalt  }
0x52: {  	_ =	shalt  }
0x53: {  	_ =	shalt  }
0x54: {  	_ =	shalt  }
0x55: {  	_ =	shalt  }
0x56: {  	_ =	shalt  }
0x57: {  	_ =	shalt  }
0x58: {  	_ =	shalt  }
0x59: {  	_ =	shalt  }
0x5a: {  	_ =	shalt  }
0x5b: {  	_ =	shalt  }
0x5c: {  	_ =	shalt  }
0x5d: {  	_ =	shalt  }
0x5e: {  	_ =	shalt  }
0x5f: {  	_ =	shalt  }
0x60: {  	_ =	shalt  }
0x61: {  	_ =	shalt  }
0x62: {  	_ =	shalt  }
0x63: {  	_ =	shalt  }
0x64: {  	_ =	shalt  }
0x65: {  	_ =	shalt  }
0x66: {  	_ =	shalt  }
0x67: {  	_ =	shalt  }
0x68: {  	_ =	shalt  }
0x69: {  	_ =	shalt  }
0x6a: {  	_ =	shalt  }
0x6b: {  	_ =	shalt  }
0x6c: {  	_ =	shalt  }
0x6d: {  	_ =	shalt  }
0x6e: {  	_ =	shalt  }
0x6f: {  	_ =	shalt  }
0x70: {  	_ =	shalt  }
0x71: {  	_ =	shalt  }
0x72: {  	_ =	shalt  }
0x73: {  	_ =	shalt  }
0x74: {  	_ =	shalt  }
0x75: {  	_ =	shalt  }
0x76: {  	_ =	shalt  }
0x77: {  	_ =	shalt  }
0x78: {  	_ =	shalt  }
0x79: {  	_ =	shalt  }
0x7a: {  	_ =	shalt  }
0x7b: {  	_ =	shalt  }
0x7c: {  	_ =	shalt  }
0x7d: {  	_ =	shalt  }
0x7e: {  	_ =	shalt  }
0x7f: {  	_ =	shalt  }
0x80: {  	_ =	shalt  }
0x81: {  	_ =	shalt  }
0x82: {  	_ =	shalt  }
0x83: {  	_ =	shalt  }
0x84: {  	_ =	shalt  }
0x85: {  	_ =	shalt  }
0x86: {  	_ =	shalt  }
0x87: {  	_ =	shalt  }
.Lfunc_end0:
.L_simem_size_0:
called_computation_lowered:
.L_overlay_start_0:
0x88: {  	s2 =	sld [smem:$0x3FD9]  }
0x89: {  	s3 =	sld [smem:$0x3FFE];
	_ =	sdelay $0x1  }
0x8a: {  	s1 =	srdreg.scid  }
0x8b: {  	s0 =	sand.u32 $0x1, s1  }
0x8c: {  	s17 =	sshll.u32 s0, $0xA;
	s2 =	sadd.s32 s3, s2  }
0x8d: {  	s2 =	sadd.s32 s2, s17  }
0x8e: {  	[smem:$0x3FC3] =	sst s2  }
0x8f: {  	_ = 	snop  }
0x90: {  	s2 =	sld [smem:$0x3FD0];
	(tm) =	ssettm $0x1  }
0x91: {  	s18 =	sld [smem:$0x3FFB];
	_ =	sdelay $0x3  }
0x92: {  	_ =	strace s18  }
0x93: {  	s3 =	sld [smem:$0x3FFC];
	_ =	sdelay $0x3  }
0x94: {  	_ =	strace s3  }
0x95: {  	s3 =	sld [smem:$0x3FFD];
	_ =	sdelay $0x3  }
0x96: {  	_ =	strace s3  }
0x97: {  	_ =	strace $0x8FFFFFFF  }
0x98: {  	s19 =	sld [smem:$0x3FDB];
	_ =	sdelay $0x1  }
0x99: {  	s4 =	simm.s32 $_scs_section_size  }
0x9a: {  	s5 =	simm.s32 $_size__tile_overlayer_lowered;
	s6 =	simm.s32 $_tile_overlayer_lowered  }
0x9b: {  	s22 =	simm.s32 $0x1BFF;
	s21 =	sshll.u32 s6, $0x1;
	s3 =	sadd.s32 s4, s19  }
0x9c: {  	s7 =	simm.s32 $0x0;
	s20 =	sshll.u32 s5, $0x1;
	s5 =	sadd.s32 s21, s3  }
0x9d: {  	[timem:s7], [sflag:s22] =	dma.local [hbm:s5], s20  }
0x9e: {  	_ =	swait.ge [sflag:s22], s20  }
0x9f: {  	s4 =	ssub.s32 $0x0, s20;
	[sflag:s22] =	ssyncset.done $0x0  }
0xa0: {  	[sflag:s22] =	ssyncadd.s32 s4;
	_ =	sdelay $0x1  }
0xa1: {  	s23 =	simm.s32 $0x1B8B  }
0xa2: {  	_ =	swait.ge [sflag:s23], $0x1  }
0xa3: {  	[sflag:s23] =	ssyncset.done $0x0  }
0xa4: {  	s25 =	simm.s32 $0x1B8E;
	s24 =	sld [smem:$0x3FFE];
	[sflag:s23] =	ssyncadd.s32 $0xFFFFFFFF  }
0xa5: {  	s26 =	simm.s32 $execute0_lowered;
	[smem:$0x3FD2] =	sst s25  }
0xa6: {  	s5 =	sshll.u32 s26, $0x1;
	_ =	strace $0x80000046;
	[dreg:$0x1] =	wrdreg $0xFFFFFFFF  }
0xa7: {  	s28 =	simm.s32 $_size_execute0_lowered;
	s3 =	sadd.s32 s3, s5;
	[dreg:$0x0] =	wrdreg $0x0  }
0xa8: {  	s5 =	sshll.u32 s28, $0x1;
	[dreg:$0x2] =	wrdreg s3  }
0xa9: {  	[dreg:$0x3] =	wrdreg s5  }
0xaa: {  	[dreg:$0x4] =	wrdreg $0xC0  }
0xab: {  	_ =	task [dreg:s7], $0x5FFFF  }
0xac: {  	[dreg:$0x1] =	wrdreg $0xFFFFFFFF  }
0xad: {  	[dreg:$0x0] =	wrdreg $0x60  }
0xae: {  	[dreg:$0x2] =	wrdreg s24  }
0xaf: {  	[dreg:$0x3] =	wrdreg s2  }
0xb0: {  	[dreg:$0x4] =	wrdreg $0x79900  }
0xb1: {  	[dreg:$0x5] =	wrdreg $0x9  }
0xb2: {  	_ =	task.clear_ibuf [dreg:s7], $0x6FFFF;
	_ =	strace $0x90000046  }
0xb3: {  	s29 =	simm.s32 $0x9;
	_ =	strace $0x80000048  }
0xb4: {  	_ =	swait.ge [sflag:s29], $0x1  }
0xb5: {  	[sflag:s29] =	ssyncadd.s32 $0xFFFFFFFF  }
0xb6: {  	_ =	strace $0x90000048  }
0xb7: {  	_ =	sfence  }
0xb8: {  	s30 =	sld [smem:$0x0];
	_ =	sdelay $0x2  }
0xb9: {  	s31 =	sshll.u32 s1, $0xD;
	s1 =	sshrl.u32 s1, $0x2  }
0xba: {  	s3 =	sand.u32 $0x4000, s31;
	s1 =	sadd.s32 s1, s30  }
0xbb: {  	s0 =	sor.u32 s3, s0;
	s1 =	sshll.u32 s1, $0x11  }
0xbc: {  	s0 =	sor.u32 s1, s0  }
0xbd: {  	s0 =	sadd.s32 $0x8F2B, s0  }
0xbe: {  	[sflag:s0] =	ssyncadd.remote.s32 $0x1  }
0xbf: {  	_ =	sfence.sel $0xFFFF  }
0xc0: {  	[dreg:$0x0] =	wrdreg $0xFFFFFFFF;
	(pc) =	sbr.abs _section_cstart, $3  }
0xc1: {  	[dreg:$0x1] =	wrdreg $0xFFFFFFFF  }
0xc2: {  	_ =	task.clear_ibuf [dreg:s7], $0x2FFFF;
	_ =	strace $0x9FFFFFFF  }
0xc3: {  	(tm) =	ssettm $0x7FFFFFFF  }
tec
execute0_lowered:
.L_overlay_start_1:
0x0: {  	(tag) =	ssettag $0x1  }
0x1: {  	s4 =	rddreg [dreg:$0x0]  }
0x2: {  	s6 =	rddreg [dreg:$0x1]  }
0x3: {  	s0 =	srdreg.scid;
	s7 =	rddreg [dreg:$0x2]  }
0x4: {  	s2 =	simm.s32 $0x0;
	s3 =	sand.u32 $0x1, s0;
	s0 =	stileid.u32  }
0x5: {  	s11 =	simm.s32 $0x2800;
	s12 =	simm.s32 $0x7710;
	s8 =	smul.u32 $0xA000, s0  }
0x6: {  	s13 =	simm.s32 $0x0;
	s1 =	sshll.u32 s3, $0x4;
	s9 =	smul.u32 $0x280, s0  }
0x7: {  	s10 =	ssub.s32 $0x2, s3;
	s3 =	smul.u32 $0x2800, s3;
	s1 =	sor.u32 s0, s1  }
0x8: {  	[smem:$0x7FF] =	sst s2;
	s29 =	sshrl.u32 s10, $0x1;
	s5 =	smul.u32 $0x4E2, s1  }
0x9: {  	s1 =	rddreg [dreg:$0x3];
	_ =	strace $0x80000047;
	s31 =	sadd.s32 s9, s3  }
0xa: {  	s10 =	ssub.s32 s10, s29;
	s30 =	sshrl.u32 s8, $0x2;
	s8 =	sshrl.u32 s31, $0x3  }
0xb: {  	s4 =	sadd.s32 s5, s4;
	s5 =	sadd.s32 s9, s7;
	s6 =	sadd.s32 s6, s8  }
0xc: {  	s8 =	simm.s32 $0x1;
	s9 =	simm.s32 $0x2710;
	s3 =	sadd.s32 $0xBA00, s4  }
0xd: {  	v0 =	vimm.f32 $0.0e+00;
	v1 =	vimm.f32 $1.000000000e+00;
	s4 =	sadd.s32 s30, s7;
	s7 =	smax.u32 s10, $0x1;
	s10 =	simm.s32 $0x280  }
.LBB2_1:
0xe: {  	s14 =	simm.s32 $0x40;
	s15 =	simm.s32 $0x0  }
.LBB2_2:
0xf: {  	p0 =	sne.s32 s14, $0x9FC0;
	[tilespmem:s15+$0x2710] =	vst v0;
	s15 =	smov.u32 s14;
	s14 =	sadd.s32 $0x40, s14  }
.Ltmp0:
0x10: {  	(pc) =	sbr.rel @p0 .LBB2_2-.Ltmp0, $2  }
0x11: {  	_ =	sdelay $0x2  }
0x12: {  	s15 =	sshra.s32 s15, $0x2  }
0x13: {  	[tilespmem:s15+$0x2710] =	vst v0;
	s14 =	simm.s32 $0x0  }
0x14: {  	[tilespmem:s14], [sflag:$0x1] =	stream.linear.gather [hbm4b:s3+s14], $0x2710, $0x38;
	[tilespmem:$0xA190] =	vst v63  }
0x15: {  	_ =	swait.ge [sflag:s8], $0x2710  }
0x16: {  	[sflag:s8] =	ssyncset.done $0x0  }
0x17: {  	s15 =	simm.s32 $0x0;
	s14 =	simm.s32 $0x40;
	[sflag:s8] =	ssyncadd.s32 $0xFFFFD8F0  }
.LBB2_4:
0x18: {  	p0 =	sne.s32 s14, $0x9C00;
	v2 =	vld [tilespmem:s15+$0x0];
	_ =	sdelay $0x3  }
.Ltmp1:
0x19: {  	(pc) =	sbr.rel @p0 .LBB2_4-.Ltmp1, $2  }
0x1a: {  	_ =	sdelay $0x2  }
0x1b: {  	s15 =	sshra.s32 s14, $0x2;
	s14 =	sadd.s32 $0x40, s14;
	[tilespmem:v2+s9+$0x0] =	vst.idx.add.f32.msk $0xffff, v1  }
0x1c: {  	v2 =	vld [tilespmem:s15+$0x0];
	_ =	sdelay $0x7  }
0x1d: {  	[tilespmem:v2+s9+$0x0] =	vst.idx.add.f32.msk $0xffff, v1  }
0x1e: {  	[spmem:s4] =	stream.linear.scatter [tilespmem:s9], [sflag:$0x1], $0x2800, $0x38;
	[tilespmem:$0xA190] =	vst v63  }
0x1f: {  	_ =	swait.ge [sflag:s8], $0x2800  }
0x20: {  	[sflag:s8] =	ssyncset.done $0x0  }
0x21: {  	[sflag:s8] =	ssyncadd.s32 $0xFFFFD800  }
0x22: {  	[bflag:$0x0] =	sbarrier.arrive $0xFFFF  }
0x23: {  	[tilespmem:$0x7710] =	vst v0  }
0x24: {  	[tilespmem:$0x7720] =	vst v0  }
0x25: {  	[tilespmem:$0x7730] =	vst v0  }
0x26: {  	[tilespmem:$0x7740] =	vst v0  }
0x27: {  	[tilespmem:$0x7750] =	vst v0  }
0x28: {  	[tilespmem:$0x7760] =	vst v0  }
0x29: {  	[tilespmem:$0x7770] =	vst v0  }
0x2a: {  	[tilespmem:$0x7780] =	vst v0  }
0x2b: {  	[tilespmem:$0x7790] =	vst v0  }
0x2c: {  	[tilespmem:$0x77A0] =	vst v0  }
0x2d: {  	[tilespmem:$0x77B0] =	vst v0  }
0x2e: {  	[tilespmem:$0x77C0] =	vst v0  }
0x2f: {  	[tilespmem:$0x77D0] =	vst v0  }
0x30: {  	[tilespmem:$0x77E0] =	vst v0  }
0x31: {  	[tilespmem:$0x77F0] =	vst v0  }
0x32: {  	[tilespmem:$0x7800] =	vst v0  }
0x33: {  	[tilespmem:$0x7810] =	vst v0  }
0x34: {  	[tilespmem:$0x7820] =	vst v0  }
0x35: {  	[tilespmem:$0x7830] =	vst v0  }
0x36: {  	[tilespmem:$0x7840] =	vst v0  }
0x37: {  	[tilespmem:$0x7850] =	vst v0  }
0x38: {  	[tilespmem:$0x7860] =	vst v0  }
0x39: {  	[tilespmem:$0x7870] =	vst v0  }
0x3a: {  	[tilespmem:$0x7880] =	vst v0  }
0x3b: {  	[tilespmem:$0x7890] =	vst v0  }
0x3c: {  	[tilespmem:$0x78A0] =	vst v0  }
0x3d: {  	[tilespmem:$0x78B0] =	vst v0  }
0x3e: {  	[tilespmem:$0x78C0] =	vst v0  }
0x3f: {  	[tilespmem:$0x78D0] =	vst v0  }
0x40: {  	[tilespmem:$0x78E0] =	vst v0  }
0x41: {  	[tilespmem:$0x78F0] =	vst v0  }
0x42: {  	[tilespmem:$0x7900] =	vst v0  }
0x43: {  	[tilespmem:$0x7910] =	vst v0  }
0x44: {  	[tilespmem:$0x7920] =	vst v0  }
0x45: {  	[tilespmem:$0x7930] =	vst v0  }
0x46: {  	[tilespmem:$0x7940] =	vst v0  }
0x47: {  	[tilespmem:$0x7950] =	vst v0  }
0x48: {  	[tilespmem:$0x7960] =	vst v0  }
0x49: {  	[tilespmem:$0x7970] =	vst v0  }
0x4a: {  	s14 =	simm.s32 $0x4F10;
	[tilespmem:$0x7980] =	vst v0  }
0x4b: {  	[tilespmem:s14], [sflag:$0x1] =	stream.strided.gather [spmem:s5], $0x2800, s11, s10, $0x38;
	[tilespmem:$0xA190] =	vst v63  }
0x4c: {  	_ =	swait.ge [sflag:s8], $0x2800  }
0x4d: {  	[sflag:s8] =	ssyncset.done $0x0  }
0x4e: {  	s15 =	simm.s32 $0x0;
	[sflag:s8] =	ssyncadd.s32 $0xFFFFD800  }
.LBB2_6:
0x4f: {  	v2 =	vmov s14;
	_ =	sdelay $0x3  }
0x50: {  	s16 =	simm.s32 $0x0;
	s17 =	simm.s32 $0x40  }
.LBB2_7:
0x51: {  	p0 =	sne.s32 s17, $0x9C0;
	v3 =	vld.idx.msk [tilespmem:v2+s16+$0x0 ss:$0x1], $0xffff  }
0x52: {  	v4 =	vld [tilespmem:s16+$0x7710];
	_ =	sdelay $0x2  }
.Ltmp2:
0x53: {  	(pc) =	sbr.rel @p0 .LBB2_7-.Ltmp2, $3  }
0x54: {  	_ = 	snop  }
0x55: {  	v3 =	vadd.f32 v3, v4;
	_ =	sdelay $0x1  }
0x56: {  	[tilespmem:s16+$0x7710] =	vst v3;
	s16 =	sshra.s32 s17, $0x2;
	s17 =	sadd.s32 $0x40, s17  }
0x57: {  	_ =	sdelay $0x3  }
0x58: {  	v2 =	vld.idx.msk [tilespmem:v2+s16+$0x0 ss:$0x1], $0xffff  }
0x59: {  	v3 =	vld [tilespmem:s16+$0x7710]  }
0x5a: {  	s15 =	sadd.s32 $0x1, s15  }
0x5b: {  	p0 =	sne.s32 s15, $0x10  }
.Ltmp3:
0x5c: {  	_ = 	snop;
	(pc) =	sbr.rel @p0 .LBB2_6-.Ltmp3, $3  }
0x5d: {  	_ = 	snop  }
0x5e: {  	v2 =	vadd.f32 v2, v3;
	_ =	sdelay $0x1  }
0x5f: {  	s14 =	sadd.s32 $0x280, s14;
	[tilespmem:s16+$0x7710] =	vst v2  }
0x60: {  	s13 =	sadd.s32 $0x1, s13  }
0x61: {  	p0 =	sne.s32 s13, s7  }
.Ltmp4:
0x62: {  	_ = 	snop;
	(pc) =	sbr.rel @p0 .LBB2_1-.Ltmp4, $4  }
0x63: {  	[hbm4b:s6+s2] =	stream.linear.scatter [tilespmem:s12], [sflag:$0x1], $0x280, $0x38;
	[tilespmem:$0xA190] =	vst v63  }
0x64: {  	_ =	swait.ge [sflag:s8], $0x280  }
0x65: {  	[sflag:s8] =	ssyncset.done $0x0  }
0x66: {  	[sflag:s8] =	ssyncadd.s32 $0xFFFFFD80  }
0x67: {  	_ =	sfence.sel $0x180000  }
0x68: {  	[bflag:$0x0] =	sbarrier.arrive $0xFFFF  }
0x69: {  	p0 =	sne.s32 s0, $0x0;
	_ =	strace $0x90000047  }
0x6a: {  	s0 =	sadd.s32 @!p0 $0x100000, s1;
	[bflag:$0x2] =	sbarrier.arrive $0xFFFF  }
0x6b: {  	[sflag:s0] =	ssyncadd.tile.s32 @!p0 $0x1;
	_ =	shalt  }
.Lfunc_end2:
_tile_overlayer_lowered:
.L_overlay_start_2:
0x6c: {  	(tag) =	ssettag $0x2  }
0x6d: {  	s0 =	rddreg [dreg:$0x0];
	s2 =	stileid.u32  }
0x6e: {  	s1 =	rddreg [dreg:$0x1];
	p0 =	sne.s32 s2, $0x0  }
0x6f: {  	s3 =	rddreg [dreg:$0x2];
	[bflag:$0x3] =	sbarrier.arrive $0xFFFF;
	s2 =	simm.s32 @!p0 $0x1C01  }
0x70: {  	[timem:s3], [sflag:s2] =	dma.local @!p0 [hbm:s0], s1  }
0x71: {  	s0 =	simm.s32 @!p0 $0x1  }
0x72: {  	_ =	swait.ge @!p0 [sflag:s0], s1  }
0x73: {  	s1 =	ssub.s32 @!p0 $0x0, s1;
	[sflag:s0] =	ssyncset.done @!p0 $0x0  }
0x74: {  	[sflag:s0] =	ssyncadd.s32 @!p0 s1  }
0x75: {  	[bflag:$0x3] =	sbarrier.arrive $0xFFFF  }
0x76: {  	_ =	shalt  }

// kernel: kernel.9.cloned.1.call-start
scs
__scs_entry_jumppad:
0x0: {  	(pc) =	sbr.rel $0x88, $3  }
0x1: {  	(tag) =	ssettag $0x0;
	lr =	simm.s32 $0x1  }
0x2: {  	[smem:$0x3F9C] =	sst lr;
	_ =	strace $0xD0000000  }
0x3: {  	_ = 	snop  }
0x4: {  	_ = 	snop  }
0x5: {  	_ = 	snop  }
0x6: {  	_ = 	snop  }
0x7: {  	_ = 	snop  }
__scs_overlays_trampoline_lowered:
0x8: {  	[smem:$0x3FAB] =	sst s0  }
0x9: {  	[smem:$0x3FAC] =	sst s1  }
0xa: {  	[smem:$0x3FAD] =	sst s2  }
0xb: {  	[smem:$0x3FAE] =	sst s3  }
0xc: {  	[smem:$0x3FAF] =	sst s4  }
0xd: {  	[smem:$0x3FB0] =	sst s5  }
0xe: {  	[smem:$0x3FB1] =	sst s6  }
0xf: {  	[smem:$0x3FB2] =	sst s7  }
0x10: {  	[smem:$0x3FB3] =	sst s8  }
0x11: {  	[smem:$0x3FB4] =	sst s9;
	s0 =	simm.s32 @!p0 $0x0  }
0x12: {  	s1 =	sld [smem:$0x3F9A];
	s0 =	simm.s32 @p0 $0x1  }
0x13: {  	[smem:$0x3FB5] =	sst s0;
	s0 =	simm.s32 @!p1 $0x0  }
0x14: {  	s2 =	sld [smem:$0x3F99];
	s0 =	simm.s32 @p1 $0x1  }
0x15: {  	[smem:$0x3FB6] =	sst s0;
	s0 =	simm.s32 @!p2 $0x0  }
0x16: {  	s3 =	sld [smem:$0x3FDB];
	s0 =	simm.s32 @p2 $0x1  }
0x17: {  	s4 =	simm.s32 $0x1BF5;
	[smem:$0x3FB8] =	sst s0  }
0x18: {  	s0 =	sld [smem:$0x3F9B];
	_ =	swait.ge [sflag:s4], $0x0  }
0x19: {  	s7 =	sld [smem:$0x3F9C]  }
0x1a: {  	s8 =	sadd.s32 $0xFFFFE003, lr  }
0x1b: {  	s9 =	sadd.s32 $0xFFFFFEF7, lr;
	s5 =	simm.s32 $0xFFFFFFFF;
	p2 =	slt.u32 s8, $0xFFFFF086  }
0x1c: {  	p1 =	slt.u32 s9, $0xF7A;
	s5 =	simm.s32 @!p2 $0x0  }
0x1d: {  	s5 =	simm.s32 @p1 $0x1;
	p0 =	seq.s32 s7, s2  }
0x1e: {  	s7 =	smul.u32 @!p0 $0xF7A, s2;
	p2 =	seq.s32 @!p0 s5, $0x0  }
0x1f: {  	s9 =	smul.u32 $0xF7A, s1;
	s8 =	simm.s32 @!p0 $0x1BF5;
	p2 =	por !p2, p0  }
0x20: {  	[sflag:s8] =	ssyncset.s32 @!p0 $0xFFFFF086;
	s6 =	sadd.s32 @!p0 s3, s7;
	s7 =	simm.s32 @!p0 $0x108  }
0x21: {  	s3 =	sadd.s32 s3, s9;
	s6 =	sadd.s32 @!p0 $0x88, s6;
	s7 =	simm.s32 @p2 $0x1082  }
0x22: {  	[simem:s7], [sflag:s8] =	dma.local @!p0 [hbm:s6], $0xF7A  }
0x23: {  	s9 =	sor.u32 $0xD0000000, s2;
	s6 =	simm.s32 $0x108;
	_ =	swait.ge @!p0 [sflag:s8], $0x0  }
0x24: {  	s3 =	sadd.s32 $0x88, s3;
	s6 =	simm.s32 @!p1 $0x1082;
	[sflag:s4] =	ssyncset.s32 $0xFFFFF086  }
0x25: {  	[simem:s6], [sflag:s4] =	dma.local [hbm:s3], $0xF7A  }
0x26: {  	[smem:$0x3F9C] =	sst s1;
	(tag) =	ssettag s2;
	_ =	strace s9  }
0x27: {  	s1 =	sld [smem:$0x3FAC]  }
0x28: {  	s2 =	sld [smem:$0x3FAD]  }
0x29: {  	s4 =	sld [smem:$0x3FAF]  }
0x2a: {  	p0 =	seq.s32 s5, $0x0;
	s5 =	sld [smem:$0x3FB0]  }
0x2b: {  	s6 =	sld [smem:$0x3FB1]  }
0x2c: {  	s7 =	sld [smem:$0x3FB2]  }
0x2d: {  	s3 =	simm.s32 $0x108;
	s8 =	sld [smem:$0x3FB3]  }
0x2e: {  	s3 =	simm.s32 @!p0 $0x1082;
	s9 =	sld [smem:$0x3FB4]  }
0x2f: {  	lr =	sadd.s32 s0, s3;
	s0 =	sld [smem:$0x3FAB]  }
0x30: {  	s3 =	sld [smem:$0x3FAE]  }
0x31: {  	[smem:$0x3FB7] =	sst s10  }
0x32: {  	s10 =	sld [smem:$0x3FB5];
	_ =	sdelay $0x3  }
0x33: {  	p0 =	seq.s32 s10, $0x1;
	s10 =	sld [smem:$0x3FB7];
	_ =	sdelay $0x3  }
0x34: {  	[smem:$0x3FB7] =	sst s10  }
0x35: {  	s10 =	sld [smem:$0x3FB6];
	_ =	sdelay $0x3  }
0x36: {  	p1 =	seq.s32 s10, $0x1;
	s10 =	sld [smem:$0x3FB7];
	_ =	sdelay $0x3  }
0x37: {  	[smem:$0x3FB7] =	sst s10  }
0x38: {  	s10 =	sld [smem:$0x3FB8]  }
0x39: {  	_ = 	snop;
	(pc) =	sbr.ind lr, $3  }
0x3a: {  	_ = 	snop  }
0x3b: {  	_ = 	snop  }
0x3c: {  	p2 =	seq.s32 s10, $0x1;
	s10 =	sld [smem:$0x3FB7]  }
0x3d: {  	_ =	shalt  }
0x3e: {  	_ =	shalt  }
0x3f: {  	_ =	shalt  }
0x40: {  	_ =	shalt  }
0x41: {  	_ =	shalt  }
0x42: {  	_ =	shalt  }
0x43: {  	_ =	shalt  }
0x44: {  	_ =	shalt  }
0x45: {  	_ =	shalt  }
0x46: {  	_ =	shalt  }
0x47: {  	_ =	shalt  }
0x48: {  	_ =	shalt  }
0x49: {  	_ =	shalt  }
0x4a: {  	_ =	shalt  }
0x4b: {  	_ =	shalt  }
0x4c: {  	_ =	shalt  }
0x4d: {  	_ =	shalt  }
0x4e: {  	_ =	shalt  }
0x4f: {  	_ =	shalt  }
0x50: {  	_ =	shalt  }
0x51: {  	_ =	shalt  }
0x52: {  	_ =	shalt  }
0x53: {  	_ =	shalt  }
0x54: {  	_ =	shalt  }
0x55: {  	_ =	shalt  }
0x56: {  	_ =	shalt  }
0x57: {  	_ =	shalt  }
0x58: {  	_ =	shalt  }
0x59: {  	_ =	shalt  }
0x5a: {  	_ =	shalt  }
0x5b: {  	_ =	shalt  }
0x5c: {  	_ =	shalt  }
0x5d: {  	_ =	shalt  }
0x5e: {  	_ =	shalt  }
0x5f: {  	_ =	shalt  }
0x60: {  	_ =	shalt  }
0x61: {  	_ =	shalt  }
0x62: {  	_ =	shalt  }
0x63: {  	_ =	shalt  }
0x64: {  	_ =	shalt  }
0x65: {  	_ =	shalt  }
0x66: {  	_ =	shalt  }
0x67: {  	_ =	shalt  }
0x68: {  	_ =	shalt  }
0x69: {  	_ =	shalt  }
0x6a: {  	_ =	shalt  }
0x6b: {  	_ =	shalt  }
0x6c: {  	_ =	shalt  }
0x6d: {  	_ =	shalt  }
0x6e: {  	_ =	shalt  }
0x6f: {  	_ =	shalt  }
0x70: {  	_ =	shalt  }
0x71: {  	_ =	shalt  }
0x72: {  	_ =	shalt  }
0x73: {  	_ =	shalt  }
0x74: {  	_ =	shalt  }
0x75: {  	_ =	shalt  }
0x76: {  	_ =	shalt  }
0x77: {  	_ =	shalt  }
0x78: {  	_ =	shalt  }
0x79: {  	_ =	shalt  }
0x7a: {  	_ =	shalt  }
0x7b: {  	_ =	shalt  }
0x7c: {  	_ =	shalt  }
0x7d: {  	_ =	shalt  }
0x7e: {  	_ =	shalt  }
0x7f: {  	_ =	shalt  }
0x80: {  	_ =	shalt  }
0x81: {  	_ =	shalt  }
0x82: {  	_ =	shalt  }
0x83: {  	_ =	shalt  }
0x84: {  	_ =	shalt  }
0x85: {  	_ =	shalt  }
0x86: {  	_ =	shalt  }
0x87: {  	_ =	shalt  }
.Lfunc_end0:
.L_simem_size_0:
called_computation.1_lowered:
.L_overlay_start_0:
0x88: {  	s2 =	sld [smem:$0x3FD9]  }
0x89: {  	s3 =	sld [smem:$0x3FFE];
	_ =	sdelay $0x1  }
0x8a: {  	s1 =	srdreg.scid  }
0x8b: {  	s0 =	sand.u32 $0x1, s1  }
0x8c: {  	s17 =	sshll.u32 s0, $0xA;
	s2 =	sadd.s32 s3, s2  }
0x8d: {  	s2 =	sadd.s32 s2, s17  }
0x8e: {  	[smem:$0x3FC3] =	sst s2  }
0x8f: {  	_ = 	snop  }
0x90: {  	s2 =	sld [smem:$0x3FD0];
	(tm) =	ssettm $0x1  }
0x91: {  	s18 =	sld [smem:$0x3FFB];
	_ =	sdelay $0x3  }
0x92: {  	_ =	strace s18  }
0x93: {  	s3 =	sld [smem:$0x3FFC];
	_ =	sdelay $0x3  }
0x94: {  	_ =	strace s3  }
0x95: {  	s3 =	sld [smem:$0x3FFD];
	_ =	sdelay $0x3  }
0x96: {  	_ =	strace s3  }
0x97: {  	_ =	strace $0x8FFFFFFF  }
0x98: {  	s19 =	sld [smem:$0x3FDB];
	_ =	sdelay $0x1  }
0x99: {  	s4 =	simm.s32 $_scs_section_size  }
0x9a: {  	s5 =	simm.s32 $_size__tile_overlayer_lowered;
	s6 =	simm.s32 $_tile_overlayer_lowered  }
0x9b: {  	s22 =	simm.s32 $0x1BFF;
	s21 =	sshll.u32 s6, $0x1;
	s3 =	sadd.s32 s4, s19  }
0x9c: {  	s7 =	simm.s32 $0x0;
	s20 =	sshll.u32 s5, $0x1;
	s5 =	sadd.s32 s21, s3  }
0x9d: {  	[timem:s7], [sflag:s22] =	dma.local [hbm:s5], s20  }
0x9e: {  	_ =	swait.ge [sflag:s22], s20  }
0x9f: {  	s4 =	ssub.s32 $0x0, s20;
	[sflag:s22] =	ssyncset.done $0x0  }
0xa0: {  	[sflag:s22] =	ssyncadd.s32 s4;
	_ =	sdelay $0x1  }
0xa1: {  	s23 =	simm.s32 $0x1B8B  }
0xa2: {  	_ =	swait.ge [sflag:s23], $0x1  }
0xa3: {  	[sflag:s23] =	ssyncset.done $0x0  }
0xa4: {  	s25 =	simm.s32 $0x1B8E;
	s24 =	sld [smem:$0x3FFE];
	[sflag:s23] =	ssyncadd.s32 $0xFFFFFFFF  }
0xa5: {  	s26 =	simm.s32 $execute0_lowered;
	[smem:$0x3FD2] =	sst s25  }
0xa6: {  	s5 =	sshll.u32 s26, $0x1;
	_ =	strace $0x80000049;
	[dreg:$0x1] =	wrdreg $0xFFFFFFFF  }
0xa7: {  	s28 =	simm.s32 $_size_execute0_lowered;
	s3 =	sadd.s32 s3, s5;
	[dreg:$0x0] =	wrdreg $0x0  }
0xa8: {  	s5 =	sshll.u32 s28, $0x1;
	[dreg:$0x2] =	wrdreg s3  }
0xa9: {  	[dreg:$0x3] =	wrdreg s5  }
0xaa: {  	[dreg:$0x4] =	wrdreg $0xC0  }
0xab: {  	_ =	task [dreg:s7], $0x5FFFF  }
0xac: {  	[dreg:$0x1] =	wrdreg $0xFFFFFFFF  }
0xad: {  	[dreg:$0x0] =	wrdreg $0x60  }
0xae: {  	[dreg:$0x2] =	wrdreg s2  }
0xaf: {  	[dreg:$0x3] =	wrdreg s24  }
0xb0: {  	[dreg:$0x4] =	wrdreg $0xC6200  }
0xb1: {  	[dreg:$0x5] =	wrdreg $0x9  }
0xb2: {  	_ =	task.clear_ibuf [dreg:s7], $0x6FFFF;
	_ =	strace $0x90000049  }
0xb3: {  	s29 =	simm.s32 $0x9;
	_ =	strace $0x8000004B  }
0xb4: {  	_ =	swait.ge [sflag:s29], $0x1  }
0xb5: {  	[sflag:s29] =	ssyncadd.s32 $0xFFFFFFFF  }
0xb6: {  	_ =	strace $0x9000004B  }
0xb7: {  	_ =	sfence  }
0xb8: {  	s30 =	sld [smem:$0x0];
	_ =	sdelay $0x2  }
0xb9: {  	s31 =	sshll.u32 s1, $0xD;
	s1 =	sshrl.u32 s1, $0x2  }
0xba: {  	s3 =	sand.u32 $0x4000, s31;
	s1 =	sadd.s32 s1, s30  }
0xbb: {  	s0 =	sor.u32 s3, s0;
	s1 =	sshll.u32 s1, $0x11  }
0xbc: {  	s0 =	sor.u32 s1, s0  }
0xbd: {  	s0 =	sadd.s32 $0x8F2B, s0  }
0xbe: {  	[sflag:s0] =	ssyncadd.remote.s32 $0x1  }
0xbf: {  	_ =	sfence.sel $0xFFFF  }
0xc0: {  	[dreg:$0x0] =	wrdreg $0xFFFFFFFF;
	(pc) =	sbr.abs _section_cstart, $3  }
0xc1: {  	[dreg:$0x1] =	wrdreg $0xFFFFFFFF  }
0xc2: {  	_ =	task.clear_ibuf [dreg:s7], $0x2FFFF;
	_ =	strace $0x9FFFFFFF  }
0xc3: {  	(tm) =	ssettm $0x7FFFFFFF  }
tec
execute0_lowered:
.L_overlay_start_1:
0x0: {  	(tag) =	ssettag $0x1  }
0x1: {  	s1 =	rddreg [dreg:$0x0]  }
0x2: {  	s0 =	rddreg [dreg:$0x1];
	s2 =	srdreg.scid  }
0x3: {  	s10 =	stileid.u32;
	s3 =	rddreg [dreg:$0x2]  }
0x4: {  	s4 =	simm.s32 $0x0;
	s12 =	simm.s32 $0xD;
	s18 =	simm.s32 $0x28  }
0x5: {  	s19 =	simm.s32 $0x4E20;
	s20 =	simm.s32 $0x6220;
	s22 =	simm.s32 $0x7620  }
0x6: {  	s29 =	simm.s32 $0xB220;
	s30 =	simm.s32 $0x1;
	s31 =	simm.s32 $0x2  }
0x7: {  	s13 =	simm.s32 $0x4;
	s21 =	simm.s32 $0x5;
	s23 =	simm.s32 $0x6  }
0x8: {  	s28 =	simm.s32 $0x8;
	s2 =	sand.u32 $0x1, s2;
	s5 =	sshll.u32 s10, $0x1  }
0x9: {  	[smem:$0x7FF] =	sst s4;
	s8 =	smul.u32 $0x4E200, s10;
	s9 =	sadd.s32 $0x15800, s0  }
0xa: {  	s26 =	smul.u32 $0x13880, s10;
	s5 =	sor.u32 s2, s5;
	_ =	strace $0x8000004A  }
0xb: {  	s6 =	ssub.s32 $0x2, s2;
	[dreg:$0x4] =	wrdreg s9;
	p0 =	seq.s32 s2, $0x0  }
0xc: {  	s9 =	simm.s32 $0x18000;
	s5 =	smul.u32 $0x4E2, s5;
	s7 =	sshrl.u32 s6, $0x1  }
0xd: {  	s25 =	sshrl.u32 s8, $0x2;
	s8 =	sadd.s32 s26, s3;
	s9 =	simm.s32 @!p0 $0x3F200  }
0xe: {  	p0 =	sne.s32 s2, $0x0;
	s6 =	ssub.s32 s6, s7;
	s7 =	sshrl.u32 s26, $0x3  }
0xf: {  	s2 =	sshll.u32 @!p0 s10, $0x6;
	s14 =	smov.u32 s8;
	s17 =	sshrl.u32 @!p0 s8, $0x3  }
0x10: {  	s26 =	simm.s32 $0x9E20;
	s5 =	sadd.s32 s5, s0;
	s11 =	sadd.s32 s1, s7  }
0x11: {  	s6 =	smax.u32 s6, $0x1;
	s0 =	sadd.s32 s9, s0;
	s16 =	sor.u32 @!p0 $0x1C0D, s2  }
0x12: {  	s2 =	simm.s32 $0x3;
	s9 =	simm.s32 $0x0;
	[dreg:$0x7] =	wrdreg s11  }
0x13: {  	s24 =	sadd.s32 $0x1C00, s5;
	s5 =	sadd.s32 $0xBA00, s5;
	[dreg:$0x8] =	wrdreg s6  }
0x14: {  	s0 =	sadd.s32 s0, s7;
	s6 =	simm.s32 $0xB;
	[dreg:$0x5] =	wrdreg s24  }
0x15: {  	s7 =	simm.s32 $0xC;
	[dreg:$0x6] =	wrdreg s5;
	s5 =	sadd.s32 s25, s3  }
0x16: {  	[dreg:$0x9] =	wrdreg s0;
	s0 =	sshll.u32 @p0 s10, $0x6;
	s24 =	simm.s32 $0x8A20  }
0x17: {  	s25 =	simm.s32 $0x7;
	s0 =	sor.u32 @p0 $0x1C0D, s0;
	s15 =	sshrl.u32 @p0 s5, $0x3  }
0x18: {  	s5 =	simm.s32 $0xA;
	[dreg:$0xa] =	wrdreg s0;
	s0 =	simm.s32 $0x9  }
.LBB2_1:
0x19: {  	s8 =	rddreg [dreg:$0x5]  }
0x1a: {  	[tilespmem:s4], [sflag:$0xD] =	stream.linear.gather [hbm4b:s8+s4], $0x2710, $0x38;
	[tilespmem:$0x1FEA0] =	vst v63  }
0x1b: {  	_ =	swait.ge [sflag:s12], $0x2710  }
0x1c: {  	[sflag:s12] =	ssyncset.done $0x0  }
0x1d: {  	s10 =	simm.s32 $0x2710;
	s11 =	rddreg [dreg:$0x6];
	[sflag:s12] =	ssyncadd.s32 $0xFFFFD8F0  }
0x1e: {  	[tilespmem:s10], [sflag:$0xD] =	stream.linear.gather [hbm4b:s11+s4], $0x2710, $0x38;
	[tilespmem:$0x1FEA0] =	vst v63  }
0x1f: {  	_ =	swait.ge [sflag:s12], $0x2710  }
0x20: {  	[sflag:s12] =	ssyncset.done $0x0;
	s8 =	rddreg [dreg:$0x4]  }
0x21: {  	s10 =	rddreg [dreg:$0xa];
	[sflag:s12] =	ssyncadd.s32 $0xFFFFD8F0  }
0x22: {  	[spmem:s15], [sflag:s10] =	dma.local @p0 [hbm:s8], $0x2710  }
0x23: {  	s8 =	rddreg [dreg:$0x7]  }
0x24: {  	[spmem:s17], [sflag:s16] =	dma.local @!p0 [hbm:s8], $0x2710  }
0x25: {  	_ =	swait.ge [sflag:s12], $0x2710  }
0x26: {  	[sflag:s12] =	ssyncset.done $0x0  }
0x27: {  	[sflag:s12] =	ssyncadd.s32 $0xFFFFD8F0  }
0x28: {  	[bflag:$0x0] =	sbarrier.arrive $0xFFFF  }
0x29: {  	[tilespmem:s19], [sflag:$0x1] =	stream.indirect.gather [hbm4b:s1+s18], $0x80, s4, s18, $0xb8;
	[tilespmem:$0x1FEA0] =	vst v63  }
0x2a: {  	_ = 	snop  }
0x2b: {  	[tilespmem:s20], [sflag:$0x2] =	stream.indirect.gather [hbm4b:s1+s18], $0x80, s18, s18, $0xb8;
	[tilespmem:$0x1FEA0] =	vst v63  }
0x2c: {  	s11 =	simm.s32 $0x50  }
0x2d: {  	[tilespmem:s22], [sflag:$0x3] =	stream.indirect.gather [hbm4b:s1+s18], $0x80, s11, s18, $0xb8;
	[tilespmem:$0x1FEA0] =	vst v63  }
0x2e: {  	s10 =	simm.s32 $0x78  }
0x2f: {  	[tilespmem:s24], [sflag:$0x4] =	stream.indirect.gather [hbm4b:s1+s18], $0x80, s10, s18, $0xb8;
	[tilespmem:$0x1FEA0] =	vst v63  }
0x30: {  	s11 =	simm.s32 $0xA0  }
0x31: {  	[tilespmem:s26], [sflag:$0x5] =	stream.indirect.gather [hbm4b:s1+s18], $0x80, s11, s18, $0xb8;
	[tilespmem:$0x1FEA0] =	vst v63  }
0x32: {  	s10 =	simm.s32 $0xC8  }
0x33: {  	[tilespmem:s29], [sflag:$0x6] =	stream.indirect.gather [hbm4b:s1+s18], $0x80, s10, s18, $0xb8;
	[tilespmem:$0x1FEA0] =	vst v63  }
0x34: {  	_ =	swait.ge [sflag:s30], $0x1400  }
0x35: {  	[sflag:s30] =	ssyncset.done $0x0  }
0x36: {  	s11 =	simm.s32 $0x2710;
	[sflag:s30] =	ssyncadd.s32 $0xFFFFEC00  }
0x37: {  	[spmem:s3] =	stream.indirect.scatter.add.f32 [tilespmem:s19], [sflag:$0x7], $0x80, s11, s18, $0xb8;
	[tilespmem:$0x1FEA0] =	vst v63  }
0x38: {  	_ =	swait.ge [sflag:s31], $0x1400  }
0x39: {  	[sflag:s31] =	ssyncset.done $0x0  }
0x3a: {  	s8 =	simm.s32 $0x2738;
	[sflag:s31] =	ssyncadd.s32 $0xFFFFEC00  }
0x3b: {  	[spmem:s3] =	stream.indirect.scatter.add.f32 [tilespmem:s20], [sflag:$0x8], $0x80, s8, s18, $0xb8;
	[tilespmem:$0x1FEA0] =	vst v63  }
0x3c: {  	_ =	swait.ge [sflag:s2], $0x1400  }
0x3d: {  	[sflag:s2] =	ssyncset.done $0x0  }
0x3e: {  	s11 =	simm.s32 $0x2760;
	[sflag:s2] =	ssyncadd.s32 $0xFFFFEC00  }
0x3f: {  	[spmem:s3] =	stream.indirect.scatter.add.f32 [tilespmem:s22], [sflag:$0x9], $0x80, s11, s18, $0xb8;
	[tilespmem:$0x1FEA0] =	vst v63  }
0x40: {  	_ =	swait.ge [sflag:s13], $0x1400  }
0x41: {  	[sflag:s13] =	ssyncset.done $0x0  }
0x42: {  	s8 =	simm.s32 $0x2788;
	[sflag:s13] =	ssyncadd.s32 $0xFFFFEC00  }
0x43: {  	[spmem:s3] =	stream.indirect.scatter.add.f32 [tilespmem:s24], [sflag:$0xA], $0x80, s8, s18, $0xb8;
	[tilespmem:$0x1FEA0] =	vst v63  }
0x44: {  	_ =	swait.ge [sflag:s21], $0x1400  }
0x45: {  	[sflag:s21] =	ssyncset.done $0x0  }
0x46: {  	s11 =	simm.s32 $0x27B0;
	[sflag:s21] =	ssyncadd.s32 $0xFFFFEC00  }
0x47: {  	[spmem:s3] =	stream.indirect.scatter.add.f32 [tilespmem:s26], [sflag:$0xB], $0x80, s11, s18, $0xb8;
	[tilespmem:$0x1FEA0] =	vst v63  }
0x48: {  	_ =	swait.ge [sflag:s23], $0x1400  }
0x49: {  	[sflag:s23] =	ssyncset.done $0x0  }
0x4a: {  	s8 =	simm.s32 $0x27D8;
	[sflag:s23] =	ssyncadd.s32 $0xFFFFEC00  }
0x4b: {  	[spmem:s3] =	stream.indirect.scatter.add.f32 [tilespmem:s29], [sflag:$0xC], $0x80, s8, s18, $0xb8;
	[tilespmem:$0x1FEA0] =	vst v63  }
0x4c: {  	_ =	swait.ge [sflag:s25], $0x1400  }
0x4d: {  	[sflag:s25] =	ssyncset.done $0x0  }
0x4e: {  	s11 =	simm.s32 $0xF0;
	[sflag:s25] =	ssyncadd.s32 $0xFFFFEC00  }
0x4f: {  	[tilespmem:s19], [sflag:$0x1] =	stream.indirect.gather [hbm4b:s1+s18], $0x80, s11, s18, $0xb8;
	[tilespmem:$0x1FEA0] =	vst v63  }
0x50: {  	_ =	swait.ge [sflag:s28], $0x1400  }
0x51: {  	[sflag:s28] =	ssyncset.done $0x0  }
0x52: {  	s8 =	simm.s32 $0x118;
	[sflag:s28] =	ssyncadd.s32 $0xFFFFEC00  }
0x53: {  	[tilespmem:s20], [sflag:$0x2] =	stream.indirect.gather [hbm4b:s1+s18], $0x80, s8, s18, $0xb8;
	[tilespmem:$0x1FEA0] =	vst v63  }
0x54: {  	_ =	swait.ge [sflag:s0], $0x1400  }
0x55: {  	[sflag:s0] =	ssyncset.done $0x0  }
0x56: {  	s11 =	simm.s32 $0x140;
	[sflag:s0] =	ssyncadd.s32 $0xFFFFEC00  }
0x57: {  	[tilespmem:s22], [sflag:$0x3] =	stream.indirect.gather [hbm4b:s1+s18], $0x80, s11, s18, $0xb8;
	[tilespmem:$0x1FEA0] =	vst v63  }
0x58: {  	_ =	swait.ge [sflag:s5], $0x1400  }
0x59: {  	[sflag:s5] =	ssyncset.done $0x0  }
0x5a: {  	s8 =	simm.s32 $0x168;
	[sflag:s5] =	ssyncadd.s32 $0xFFFFEC00  }
0x5b: {  	[tilespmem:s24], [sflag:$0x4] =	stream.indirect.gather [hbm4b:s1+s18], $0x80, s8, s18, $0xb8;
	[tilespmem:$0x1FEA0] =	vst v63  }
0x5c: {  	_ =	swait.ge [sflag:s6], $0x1400  }
0x5d: {  	[sflag:s6] =	ssyncset.done $0x0  }
0x5e: {  	s11 =	simm.s32 $0x190;
	[sflag:s6] =	ssyncadd.s32 $0xFFFFEC00  }
0x5f: {  	[tilespmem:s26], [sflag:$0x5] =	stream.indirect.gather [hbm4b:s1+s18], $0x80, s11, s18, $0xb8;
	[tilespmem:$0x1FEA0] =	vst v63  }
0x60: {  	_ =	swait.ge [sflag:s7], $0x1400  }
0x61: {  	[sflag:s7] =	ssyncset.done $0x0  }
0x62: {  	s10 =	simm.s32 $0x3C0;
	s11 =	simm.s32 $0x1B8;
	[sflag:s7] =	ssyncadd.s32 $0xFFFFEC00  }
.LBB2_2:
0x63: {  	[tilespmem:s29], [sflag:$0x6] =	stream.indirect.gather [hbm4b:s1+s18], $0x80, s11, s18, $0xb8;
	[tilespmem:$0x1FEA0] =	vst v63  }
0x64: {  	s11 =	smov.u32 s10  }
0x65: {  	p1 =	sne.s32 s10, $0x9240;
	s10 =	sadd.s32 $0x3C0, s10;
	_ =	swait.ge [sflag:s30], $0x1400  }
0x66: {  	s11 =	sshra.s32 s11, $0x2;
	[sflag:s30] =	ssyncset.done $0x0  }
0x67: {  	s8 =	sadd.s32 $0x2710, s11;
	[sflag:s30] =	ssyncadd.s32 $0xFFFFEC00  }
0x68: {  	[spmem:s3] =	stream.indirect.scatter.add.f32 [tilespmem:s19], [sflag:$0x7], $0x80, s8, s18, $0xb8;
	[tilespmem:$0x1FEA0] =	vst v63  }
0x69: {  	_ =	swait.ge [sflag:s31], $0x1400  }
0x6a: {  	[sflag:s31] =	ssyncset.done $0x0  }
0x6b: {  	s8 =	sadd.s32 $0x2738, s11;
	[sflag:s31] =	ssyncadd.s32 $0xFFFFEC00  }
0x6c: {  	[spmem:s3] =	stream.indirect.scatter.add.f32 [tilespmem:s20], [sflag:$0x8], $0x80, s8, s18, $0xb8;
	[tilespmem:$0x1FEA0] =	vst v63  }
0x6d: {  	_ =	swait.ge [sflag:s2], $0x1400  }
0x6e: {  	[sflag:s2] =	ssyncset.done $0x0  }
0x6f: {  	s8 =	sadd.s32 $0x2760, s11;
	[sflag:s2] =	ssyncadd.s32 $0xFFFFEC00  }
0x70: {  	[spmem:s3] =	stream.indirect.scatter.add.f32 [tilespmem:s22], [sflag:$0x9], $0x80, s8, s18, $0xb8;
	[tilespmem:$0x1FEA0] =	vst v63  }
0x71: {  	_ =	swait.ge [sflag:s13], $0x1400  }
0x72: {  	[sflag:s13] =	ssyncset.done $0x0  }
0x73: {  	s8 =	sadd.s32 $0x2788, s11;
	[sflag:s13] =	ssyncadd.s32 $0xFFFFEC00  }
0x74: {  	[spmem:s3] =	stream.indirect.scatter.add.f32 [tilespmem:s24], [sflag:$0xA], $0x80, s8, s18, $0xb8;
	[tilespmem:$0x1FEA0] =	vst v63  }
0x75: {  	_ =	swait.ge [sflag:s21], $0x1400  }
0x76: {  	[sflag:s21] =	ssyncset.done $0x0  }
0x77: {  	s8 =	sadd.s32 $0x27B0, s11;
	[sflag:s21] =	ssyncadd.s32 $0xFFFFEC00  }
0x78: {  	[spmem:s3] =	stream.indirect.scatter.add.f32 [tilespmem:s26], [sflag:$0xB], $0x80, s8, s18, $0xb8;
	[tilespmem:$0x1FEA0] =	vst v63  }
0x79: {  	_ =	swait.ge [sflag:s23], $0x1400  }
0x7a: {  	[sflag:s23] =	ssyncset.done $0x0  }
0x7b: {  	s8 =	sadd.s32 $0x27D8, s11;
	[sflag:s23] =	ssyncadd.s32 $0xFFFFEC00  }
0x7c: {  	[spmem:s3] =	stream.indirect.scatter.add.f32 [tilespmem:s29], [sflag:$0xC], $0x80, s8, s18, $0xb8;
	[tilespmem:$0x1FEA0] =	vst v63  }
0x7d: {  	_ =	swait.ge [sflag:s25], $0x1400  }
0x7e: {  	[sflag:s25] =	ssyncset.done $0x0  }
0x7f: {  	s8 =	sadd.s32 $0xF0, s11;
	[sflag:s25] =	ssyncadd.s32 $0xFFFFEC00  }
0x80: {  	[tilespmem:s19], [sflag:$0x1] =	stream.indirect.gather [hbm4b:s1+s18], $0x80, s8, s18, $0xb8;
	[tilespmem:$0x1FEA0] =	vst v63  }
0x81: {  	_ =	swait.ge [sflag:s28], $0x1400  }
0x82: {  	[sflag:s28] =	ssyncset.done $0x0  }
0x83: {  	s8 =	sadd.s32 $0x118, s11;
	[sflag:s28] =	ssyncadd.s32 $0xFFFFEC00  }
0x84: {  	[tilespmem:s20], [sflag:$0x2] =	stream.indirect.gather [hbm4b:s1+s18], $0x80, s8, s18, $0xb8;
	[tilespmem:$0x1FEA0] =	vst v63  }
0x85: {  	_ =	swait.ge [sflag:s0], $0x1400  }
0x86: {  	[sflag:s0] =	ssyncset.done $0x0  }
0x87: {  	s8 =	sadd.s32 $0x140, s11;
	[sflag:s0] =	ssyncadd.s32 $0xFFFFEC00  }
0x88: {  	[tilespmem:s22], [sflag:$0x3] =	stream.indirect.gather [hbm4b:s1+s18], $0x80, s8, s18, $0xb8;
	[tilespmem:$0x1FEA0] =	vst v63  }
0x89: {  	_ =	swait.ge [sflag:s5], $0x1400  }
0x8a: {  	[sflag:s5] =	ssyncset.done $0x0  }
0x8b: {  	s8 =	sadd.s32 $0x168, s11;
	[sflag:s5] =	ssyncadd.s32 $0xFFFFEC00  }
0x8c: {  	[tilespmem:s24], [sflag:$0x4] =	stream.indirect.gather [hbm4b:s1+s18], $0x80, s8, s18, $0xb8;
	[tilespmem:$0x1FEA0] =	vst v63  }
0x8d: {  	_ =	swait.ge [sflag:s6], $0x1400  }
0x8e: {  	[sflag:s6] =	ssyncset.done $0x0  }
.Ltmp0:
0x8f: {  	s8 =	sadd.s32 $0x190, s11;
	[sflag:s6] =	ssyncadd.s32 $0xFFFFEC00;
	(pc) =	sbr.rel @p1 .LBB2_2-.Ltmp0, $4  }
0x90: {  	[tilespmem:s26], [sflag:$0x5] =	stream.indirect.gather [hbm4b:s1+s18], $0x80, s8, s18, $0xb8;
	[tilespmem:$0x1FEA0] =	vst v63  }
0x91: {  	_ =	swait.ge [sflag:s7], $0x1400  }
0x92: {  	[sflag:s7] =	ssyncset.done $0x0  }
0x93: {  	s11 =	sadd.s32 $0x1B8, s11;
	[sflag:s7] =	ssyncadd.s32 $0xFFFFEC00  }
0x94: {  	[tilespmem:s29], [sflag:$0x6] =	stream.indirect.gather [hbm4b:s1+s18], $0x80, s11, s18, $0xb8;
	[tilespmem:$0x1FEA0] =	vst v63  }
0x95: {  	_ =	swait.ge [sflag:s30], $0x1400  }
0x96: {  	[sflag:s30] =	ssyncset.done $0x0  }
0x97: {  	s8 =	simm.s32 $0x4C90;
	[sflag:s30] =	ssyncadd.s32 $0xFFFFEC00  }
0x98: {  	[spmem:s3] =	stream.indirect.scatter.add.f32 [tilespmem:s19], [sflag:$0x7], $0x80, s8, s18, $0xb8;
	[tilespmem:$0x1FEA0] =	vst v63  }
0x99: {  	_ =	swait.ge [sflag:s31], $0x1400  }
0x9a: {  	[sflag:s31] =	ssyncset.done $0x0  }
0x9b: {  	s11 =	simm.s32 $0x4CB8;
	[sflag:s31] =	ssyncadd.s32 $0xFFFFEC00  }
0x9c: {  	[spmem:s3] =	stream.indirect.scatter.add.f32 [tilespmem:s20], [sflag:$0x8], $0x80, s11, s18, $0xb8;
	[tilespmem:$0x1FEA0] =	vst v63  }
0x9d: {  	_ =	swait.ge [sflag:s2], $0x1400  }
0x9e: {  	[sflag:s2] =	ssyncset.done $0x0  }
0x9f: {  	s10 =	simm.s32 $0x4CE0;
	[sflag:s2] =	ssyncadd.s32 $0xFFFFEC00  }
0xa0: {  	[spmem:s3] =	stream.indirect.scatter.add.f32 [tilespmem:s22], [sflag:$0x9], $0x80, s10, s18, $0xb8;
	[tilespmem:$0x1FEA0] =	vst v63  }
0xa1: {  	_ =	swait.ge [sflag:s13], $0x1400  }
0xa2: {  	[sflag:s13] =	ssyncset.done $0x0  }
0xa3: {  	s11 =	simm.s32 $0x4D08;
	[sflag:s13] =	ssyncadd.s32 $0xFFFFEC00  }
0xa4: {  	[spmem:s3] =	stream.indirect.scatter.add.f32 [tilespmem:s24], [sflag:$0xA], $0x80, s11, s18, $0xb8;
	[tilespmem:$0x1FEA0] =	vst v63  }
0xa5: {  	_ =	swait.ge [sflag:s21], $0x1400  }
0xa6: {  	[sflag:s21] =	ssyncset.done $0x0  }
0xa7: {  	s10 =	simm.s32 $0x4D30;
	[sflag:s21] =	ssyncadd.s32 $0xFFFFEC00  }
0xa8: {  	[spmem:s3] =	stream.indirect.scatter.add.f32 [tilespmem:s26], [sflag:$0xB], $0x80, s10, s18, $0xb8;
	[tilespmem:$0x1FEA0] =	vst v63  }
0xa9: {  	_ =	swait.ge [sflag:s23], $0x1400  }
0xaa: {  	[sflag:s23] =	ssyncset.done $0x0  }
0xab: {  	s11 =	simm.s32 $0x4D58;
	[sflag:s23] =	ssyncadd.s32 $0xFFFFEC00  }
0xac: {  	[spmem:s3] =	stream.indirect.scatter.add.f32 [tilespmem:s29], [sflag:$0xC], $0x80, s11, s18, $0xb8;
	[tilespmem:$0x1FEA0] =	vst v63  }
0xad: {  	_ =	swait.ge [sflag:s25], $0x1400  }
0xae: {  	[sflag:s25] =	ssyncset.done $0x0  }
0xaf: {  	s10 =	simm.s32 $0x2670;
	[sflag:s25] =	ssyncadd.s32 $0xFFFFEC00  }
0xb0: {  	[tilespmem:s19], [sflag:$0x1] =	stream.indirect.gather [hbm4b:s1+s18], $0x80, s10, s18, $0xb8;
	[tilespmem:$0x1FEA0] =	vst v63  }
0xb1: {  	_ =	swait.ge [sflag:s28], $0x1400  }
0xb2: {  	[sflag:s28] =	ssyncset.done $0x0  }
0xb3: {  	s11 =	simm.s32 $0x2698;
	[sflag:s28] =	ssyncadd.s32 $0xFFFFEC00  }
0xb4: {  	[tilespmem:s20], [sflag:$0x2] =	stream.indirect.gather [hbm4b:s1+s18], $0x80, s11, s18, $0xb8;
	[tilespmem:$0x1FEA0] =	vst v63  }
0xb5: {  	_ =	swait.ge [sflag:s0], $0x1400  }
0xb6: {  	[sflag:s0] =	ssyncset.done $0x0  }
0xb7: {  	s10 =	simm.s32 $0x26C0;
	[sflag:s0] =	ssyncadd.s32 $0xFFFFEC00  }
0xb8: {  	[tilespmem:s22], [sflag:$0x3] =	stream.indirect.gather [hbm4b:s1+s18], $0x80, s10, s18, $0xb8;
	[tilespmem:$0x1FEA0] =	vst v63  }
0xb9: {  	_ =	swait.ge [sflag:s5], $0x1400  }
0xba: {  	[sflag:s5] =	ssyncset.done $0x0  }
0xbb: {  	s11 =	simm.s32 $0x26E8;
	[sflag:s5] =	ssyncadd.s32 $0xFFFFEC00  }
0xbc: {  	[tilespmem:s24], [sflag:$0x4] =	stream.indirect.gather [hbm4b:s1+s18], $0x80, s11, s18, $0xb8;
	[tilespmem:$0x1FEA0] =	vst v63  }
0xbd: {  	_ =	swait.ge [sflag:s6], $0x1400  }
0xbe: {  	[sflag:s6] =	ssyncset.done $0x0  }
0xbf: {  	[sflag:s6] =	ssyncadd.s32 $0xFFFFEC00  }
0xc0: {  	_ =	swait.ge [sflag:s7], $0x1400  }
0xc1: {  	[sflag:s7] =	ssyncset.done $0x0  }
0xc2: {  	[sflag:s7] =	ssyncadd.s32 $0xFFFFEC00  }
0xc3: {  	_ =	swait.ge [sflag:s30], $0x1400  }
0xc4: {  	[sflag:s30] =	ssyncset.done $0x0  }
0xc5: {  	s10 =	simm.s32 $0x4D80;
	[sflag:s30] =	ssyncadd.s32 $0xFFFFEC00  }
0xc6: {  	[spmem:s3] =	stream.indirect.scatter.add.f32 [tilespmem:s19], [sflag:$0x7], $0x80, s10, s18, $0xb8;
	[tilespmem:$0x1FEA0] =	vst v63  }
0xc7: {  	_ =	swait.ge [sflag:s31], $0x1400  }
0xc8: {  	[sflag:s31] =	ssyncset.done $0x0  }
0xc9: {  	s11 =	simm.s32 $0x4DA8;
	[sflag:s31] =	ssyncadd.s32 $0xFFFFEC00  }
0xca: {  	[spmem:s3] =	stream.indirect.scatter.add.f32 [tilespmem:s20], [sflag:$0x8], $0x80, s11, s18, $0xb8;
	[tilespmem:$0x1FEA0] =	vst v63  }
0xcb: {  	_ =	swait.ge [sflag:s2], $0x1400  }
0xcc: {  	[sflag:s2] =	ssyncset.done $0x0  }
0xcd: {  	s10 =	simm.s32 $0x4DD0;
	[sflag:s2] =	ssyncadd.s32 $0xFFFFEC00  }
0xce: {  	[spmem:s3] =	stream.indirect.scatter.add.f32 [tilespmem:s22], [sflag:$0x9], $0x80, s10, s18, $0xb8;
	[tilespmem:$0x1FEA0] =	vst v63  }
0xcf: {  	_ =	swait.ge [sflag:s13], $0x1400  }
0xd0: {  	[sflag:s13] =	ssyncset.done $0x0  }
0xd1: {  	s11 =	simm.s32 $0x4DF8;
	[sflag:s13] =	ssyncadd.s32 $0xFFFFEC00  }
0xd2: {  	[spmem:s3] =	stream.indirect.scatter.add.f32 [tilespmem:s24], [sflag:$0xA], $0x80, s11, s18, $0xb8;
	[tilespmem:$0x1FEA0] =	vst v63  }
0xd3: {  	_ =	swait.ge [sflag:s25], $0x1400  }
0xd4: {  	[sflag:s25] =	ssyncset.done $0x0  }
0xd5: {  	[sflag:s25] =	ssyncadd.s32 $0xFFFFEC00  }
0xd6: {  	_ =	swait.ge [sflag:s28], $0x1400  }
0xd7: {  	[sflag:s28] =	ssyncset.done $0x0  }
0xd8: {  	[sflag:s28] =	ssyncadd.s32 $0xFFFFEC00  }
0xd9: {  	_ =	swait.ge [sflag:s0], $0x1400  }
0xda: {  	[sflag:s0] =	ssyncset.done $0x0  }
0xdb: {  	[sflag:s0] =	ssyncadd.s32 $0xFFFFEC00  }
0xdc: {  	_ =	swait.ge [sflag:s5], $0x1400  }
0xdd: {  	[sflag:s5] =	ssyncset.done $0x0  }
0xde: {  	s10 =	stileid.u32;
	[sflag:s5] =	ssyncadd.s32 $0xFFFFEC00  }
0xdf: {  	s8 =	sshll.u32 s10, $0x6;
	[bflag:$0x0] =	sbarrier.arrive $0xFFFF  }
0xe0: {  	s10 =	sshrl.u32 s14, $0x3;
	s8 =	sor.u32 $0x1C0D, s8;
	s11 =	rddreg [dreg:$0x9]  }
0xe1: {  	[hbm:s11], [sflag:s8] =	dma.local [spmem:s10], $0x2710  }
0xe2: {  	_ =	swait.ge [sflag:s12], $0x2710  }
0xe3: {  	s9 =	sadd.s32 $0x1, s9;
	s11 =	rddreg [dreg:$0x8]  }
0xe4: {  	p1 =	sne.s32 s9, s11  }
.Ltmp1:
0xe5: {  	_ = 	snop;
	(pc) =	sbr.rel @p1 .LBB2_1-.Ltmp1, $3  }
0xe6: {  	_ =	sdelay $0x1  }
0xe7: {  	[sflag:s12] =	ssyncset.done $0x0  }
0xe8: {  	[sflag:s12] =	ssyncadd.s32 $0xFFFFD8F0  }
0xe9: {  	_ =	sfence.sel $0x180000  }
0xea: {  	[bflag:$0x0] =	sbarrier.arrive $0xFFFF  }
0xeb: {  	_ =	strace $0x9000004A  }
0xec: {  	s0 =	stileid.u32;
	[bflag:$0x2] =	sbarrier.arrive $0xFFFF  }
0xed: {  	p0 =	sne.s32 s0, $0x0;
	s0 =	rddreg [dreg:$0x3]  }
0xee: {  	s0 =	sadd.s32 @!p0 $0x100000, s0  }
0xef: {  	[sflag:s0] =	ssyncadd.tile.s32 @!p0 $0x1;
	_ =	shalt  }
.Lfunc_end2:
_tile_overlayer_lowered:
.L_overlay_start_2:
0xf0: {  	(tag) =	ssettag $0x2  }
0xf1: {  	s0 =	rddreg [dreg:$0x0];
	s2 =	stileid.u32  }
0xf2: {  	s1 =	rddreg [dreg:$0x1];
	p0 =	sne.s32 s2, $0x0  }
0xf3: {  	s3 =	rddreg [dreg:$0x2];
	[bflag:$0x3] =	sbarrier.arrive $0xFFFF;
	s2 =	simm.s32 @!p0 $0x1C0D  }
0xf4: {  	[timem:s3], [sflag:s2] =	dma.local @!p0 [hbm:s0], s1  }
0xf5: {  	s0 =	simm.s32 @!p0 $0xD  }
0xf6: {  	_ =	swait.ge @!p0 [sflag:s0], s1  }
0xf7: {  	s1 =	ssub.s32 @!p0 $0x0, s1;
	[sflag:s0] =	ssyncset.done @!p0 $0x0  }
0xf8: {  	[sflag:s0] =	ssyncadd.s32 @!p0 s1  }
0xf9: {  	[bflag:$0x3] =	sbarrier.arrive $0xFFFF  }
0xfa: {  	_ =	shalt  }

</sc_bundles>
